<compile_context>
chip_gen: v7x
topology: tpu7x:2x2x1
jax: 0.10.2.dev20260603
libtpu: 0.0.44.dev20260713+nightly
codegen_flags: <defaults>
</compile_context>

<pallas_src>
import functools

import jax
import jax.numpy as jnp
from jax import lax
from jax.experimental import pallas as pl
from jax.experimental.pallas import tpu as pltpu
from jax.experimental.pallas import tpu_sc as plsc

K = 8
CAPACITY_FACTOR = 1.25


_SC_CORES = 2
_SC_SUBCORES = 16
_NW = _SC_CORES * _SC_SUBCORES


def _sc_gather_rows(x2, tmap):
    t_rows, c_dim = x2.shape
    n = tmap.shape[0]
    chunk = 32
    per_w = n // _NW
    k_chunks = per_w // chunk
    mesh = plsc.VectorSubcoreMesh(core_axis_name="c", subcore_axis_name="s")

    @functools.partial(
        pl.kernel, mesh=mesh,
        out_type=jax.ShapeDtypeStruct((n, c_dim), jnp.float32),
        scratch_types=[
            pltpu.VMEM((chunk,), jnp.int32),
            pltpu.VMEM((chunk, c_dim), jnp.float32),
            pltpu.SemaphoreType.DMA,
        ],
    )
    def k(x_hbm, idx_hbm, out_hbm, idx_v, rows_v, sem):
        wid = lax.axis_index("s") * _SC_CORES + lax.axis_index("c")
        base = wid * per_w

        @pl.loop(0, k_chunks)
        def _(ck):
            off = base + ck * chunk
            pltpu.sync_copy(idx_hbm.at[pl.ds(off, chunk)], idx_v)
            pltpu.async_copy(x_hbm.at[idx_v], rows_v, sem).wait()
            pltpu.sync_copy(rows_v, out_hbm.at[pl.ds(off, chunk)])

    return k(x2, tmap)


def _ffn_combine_kernel(counts_ref, tmap_ref, buf_ref, w1a_ref, w1b_ref,
                        w2a_ref, w2b_ref, w2c_ref, w2d_ref, b1_ref, b2_ref,
                        p_ref, out_ref, h4_ref, yacc_ref, *, n_ff, r, fb):
    e = pl.program_id(0)

    @pl.when(e == 0)
    def _():
        out_ref[...] = jnp.zeros_like(out_ref)

    xb = buf_ref[0].astype(jnp.bfloat16)
    ch = xb.shape[1] // 2
    xa = xb[:, :ch]
    xc = xb[:, ch:]
    for j in range(n_ff):
        sl = slice(j * fb, (j + 1) * fb)
        w1j_a = w1a_ref[0, 0][:, sl].astype(jnp.bfloat16)
        w1j_b = w1b_ref[0, 0][:, sl].astype(jnp.bfloat16)
        hj = (jnp.dot(xa, w1j_a, preferred_element_type=jnp.float32)
              + jnp.dot(xc, w1j_b, preferred_element_type=jnp.float32))
        hj = jnp.maximum(hj + b1_ref[0][:, sl], 0.0)
        h4_ref[j] = hj.astype(jnp.bfloat16)

    w2refs = [w2a_ref, w2b_ref, w2c_ref, w2d_ref]
    for j in range(n_ff):
        w2j = w2refs[j][0, 0].astype(jnp.bfloat16)
        y = jnp.dot(h4_ref[j], w2j, preferred_element_type=jnp.float32)
        if j == 0:
            yacc_ref[...] = y
        else:
            yacc_ref[...] += y

    cnt = jnp.minimum(counts_ref[e], r)
    sidx = jax.lax.broadcasted_iota(jnp.int32, (r, 1), 0)
    w = jnp.where(sidx < cnt, p_ref[0], 0.0)
    yacc_ref[...] = (yacc_ref[...] + b2_ref[0]) * w

    def body(i, _):
        t = tmap_ref[e * r + i]
        row = yacc_ref[pl.ds(i, 1), :]
        out_ref[pl.ds(t, 1), :] = out_ref[pl.ds(t, 1), :] + row
        return 0

    jax.lax.fori_loop(0, r, body, 0, unroll=4)


def _run_ffn_combine(counts, tmap, buf, W1, b1, W2, b2, p_col, n_tokens,
                     interpret=False):
    E, R, C = buf.shape
    D_FF = W1.shape[2]
    n_ff = 4 if D_FF % 4 == 0 else 1
    fb = D_FF // n_ff
    W1r = W1.reshape(E, 2, C // 2, D_FF)
    W2r = W2.reshape(E, n_ff, fb, C)

    grid_spec = pltpu.PrefetchScalarGridSpec(
        num_scalar_prefetch=2,
        grid=(E,),
        in_specs=[
            pl.BlockSpec((1, R, C), lambda e, *_: (e, 0, 0)),
            pl.BlockSpec((1, 1, C // 2, D_FF), lambda e, *_: (e, 0, 0, 0)),
            pl.BlockSpec((1, 1, C // 2, D_FF), lambda e, *_: (e, 1, 0, 0)),
            pl.BlockSpec((1, 1, fb, C), lambda e, *_: (e, 0, 0, 0)),
            pl.BlockSpec((1, 1, fb, C), lambda e, *_: (e, 1, 0, 0)),
            pl.BlockSpec((1, 1, fb, C), lambda e, *_: (e, 2, 0, 0)),
            pl.BlockSpec((1, 1, fb, C), lambda e, *_: (e, 3, 0, 0)),
            pl.BlockSpec((1, 1, D_FF), lambda e, *_: (e, 0, 0)),
            pl.BlockSpec((1, 1, C), lambda e, *_: (e, 0, 0)),
            pl.BlockSpec((1, R, 1), lambda e, *_: (e, 0, 0)),
        ],
        out_specs=pl.BlockSpec((n_tokens, C), lambda e, *_: (0, 0)),
        scratch_shapes=[pltpu.VMEM((n_ff, R, fb), jnp.bfloat16),
                        pltpu.VMEM((R, C), jnp.float32)],
    )
    kernel = pl.pallas_call(
        functools.partial(_ffn_combine_kernel, n_ff=n_ff, r=R, fb=fb),
        grid_spec=grid_spec,
        out_shape=jax.ShapeDtypeStruct((n_tokens, C), jnp.float32),
        compiler_params=pltpu.CompilerParams(
            dimension_semantics=("arbitrary",),
            vmem_limit_bytes=128 * 1024 * 1024,
        ),
        interpret=interpret,
    )
    b1r = b1.reshape(E, 1, D_FF)
    b2r = b2.reshape(E, 1, C)
    return kernel(counts, tmap, buf, W1r, W1r, W2r, W2r, W2r, W2r, b1r, b2r, p_col)


def _router_kernel(x_ref, wr_ref, br_ref, addr_ref, pval_ref, counts_ref,
                   carry_ref, *, tb, e_num, cap, n_blocks):
    i = pl.program_id(0)

    @pl.when(i == 0)
    def _():
        carry_ref[...] = jnp.zeros_like(carry_ref)

    xb = x_ref[...]
    logits = jnp.dot(xb, wr_ref[...], preferred_element_type=jnp.float32)
    logits = logits + br_ref[...]
    m = jnp.max(logits, axis=1, keepdims=True)
    el = jnp.exp(logits - m)
    z = jnp.sum(el, axis=1, keepdims=True)
    iota_e = jax.lax.broadcasted_iota(jnp.int32, (tb, e_num), 1)

    cur = logits
    ohsum = jnp.zeros((tb, e_num), jnp.float32)
    eks, pks = [], []
    for _ in range(K):
        mx = jnp.max(cur, axis=1, keepdims=True)
        idx = jnp.min(jnp.where(cur == mx, iota_e, e_num), axis=1,
                      keepdims=True)
        msk = iota_e == idx
        pks.append(jnp.sum(jnp.where(msk, el, 0.0), axis=1, keepdims=True) / z)
        ohsum = ohsum + msk.astype(jnp.float32)
        cur = jnp.where(msk, -jnp.inf, cur)
        eks.append(idx)

    r_iota = jax.lax.broadcasted_iota(jnp.int32, (tb, tb), 0)
    c_iota = jax.lax.broadcasted_iota(jnp.int32, (tb, tb), 1)
    ltri = (r_iota > c_iota).astype(jnp.float32)
    exc = jnp.dot(ltri, ohsum, preferred_element_type=jnp.float32)
    exc = exc + carry_ref[...]

    poss = []
    for k in range(K):
        v = jnp.sum(jnp.where(iota_e == eks[k], exc, 0.0), axis=1,
                    keepdims=True)
        poss.append(v)
    pos = jnp.concatenate(poss, axis=1).astype(jnp.int32) + 1
    ek = jnp.concatenate(eks, axis=1)
    pk = jnp.concatenate(pks, axis=1)
    keep = pos <= cap
    addr_ref[...] = jnp.where(keep, ek * cap + (pos - 1), e_num * cap)
    pval_ref[...] = jnp.where(keep, pk, 0.0)
    carry_ref[...] += jnp.sum(ohsum, axis=0, keepdims=True)

    @pl.when(i == n_blocks - 1)
    def _():
        counts_ref[...] = carry_ref[...].astype(jnp.int32)


def _run_router(x2, W_r, b_r, cap, interpret=False):
    T, C = x2.shape
    E = W_r.shape[1]
    tb = 512 if T % 512 == 0 else T
    n_blocks = T // tb
    out_shapes = (
        jax.ShapeDtypeStruct((T, K), jnp.int32),
        jax.ShapeDtypeStruct((T, K), jnp.float32),
        jax.ShapeDtypeStruct((1, E), jnp.int32),
    )
    return pl.pallas_call(
        functools.partial(_router_kernel, tb=tb, e_num=E, cap=cap,
                          n_blocks=n_blocks),
        grid=(n_blocks,),
        in_specs=[
            pl.BlockSpec((tb, C), lambda i: (i, 0)),
            pl.BlockSpec((C, E), lambda i: (0, 0)),
            pl.BlockSpec((1, E), lambda i: (0, 0)),
        ],
        out_specs=(
            pl.BlockSpec((tb, K), lambda i: (i, 0)),
            pl.BlockSpec((tb, K), lambda i: (i, 0)),
            pl.BlockSpec((1, E), lambda i: (0, 0)),
        ),
        out_shape=out_shapes,
        scratch_shapes=[pltpu.VMEM((1, E), jnp.float32)],
        compiler_params=pltpu.CompilerParams(
            dimension_semantics=("arbitrary",),
        ),
        interpret=interpret,
    )(x2, W_r, b_r.reshape(1, E))


def kernel(x, W_r, b_r, W1, b1, W2, b2):
    B, T, C = x.shape
    E = W_r.shape[1]
    cap = max(1, int(T / E * CAPACITY_FACTOR))
    R = cap

    x2 = x.reshape(T, C)
    addr, pval, counts2 = _run_router(x2, W_r, b_r, cap)
    n = T * K
    tvals = jnp.broadcast_to(
        jnp.arange(T, dtype=jnp.float32)[:, None], (T, K))
    vals = jnp.stack([tvals.reshape(n), pval.reshape(n)], axis=-1)

    n_rows = E * R + 8
    table = jnp.zeros((n_rows, 2), jnp.float32).at[addr.reshape(n)].set(
        vals, mode='drop')
    tmap = table[:E * R, 0].astype(jnp.int32)
    p_col = table[:E * R, 1].reshape(E, R, 1)
    counts = counts2.reshape(E)

    buf = _sc_gather_rows(x2, tmap).reshape(E, R, C)

    out = _run_ffn_combine(counts, tmap, buf, W1, b1, W2, b2, p_col, T)
    return out.reshape(B, T, C)

# --- scband reference (transcript-rebuilt; emitter-appended) ---
"""Pipeline reference for scband-mo-e-dist-48653389529292 (READ-ONLY COPY).

The authoritative reference and input builder live on the scoring server;
editing this copy changes nothing except your own understanding.
"""

import jax, jax.numpy as jnp
import numpy as np

B, T, C = 1, 8192, 768
E = 64            # num_experts == world_size
K = 8             # top-k
D_FF = 4 * C
CAPACITY_FACTOR = 1.25
PADDING_VAL = 0.0


def setup_inputs(seed: int = 0) -> dict:
    key = jax.random.key(seed)
    ks = jax.random.split(key, 5)
    x = jax.random.normal(ks[0], (B, T, C), dtype=jnp.float32)
    W_r = jax.random.normal(ks[1], (C, E), dtype=jnp.float32) / np.sqrt(C)
    b_r = jnp.zeros((E,), dtype=jnp.float32)
    # one distinct FeedForward expert per rank -> E stacked expert weight sets
    W1 = jax.random.normal(ks[2], (E, C, D_FF), dtype=jnp.float32) / np.sqrt(C)
    b1 = jnp.zeros((E, D_FF), dtype=jnp.float32)
    W2 = jax.random.normal(ks[3], (E, D_FF, C), dtype=jnp.float32) / np.sqrt(D_FF)
    b2 = jnp.zeros((E, C), dtype=jnp.float32)
    return {"x": x, "W_r": W_r, "b_r": b_r, "W1": W1, "b1": b1, "W2": W2, "b2": b2}


def reference(x, W_r, b_r, W1, b1, W2, b2):
    Bx, Tx, Cx = x.shape
    N = Tx * K
    capacity = max(1, int(Tx / E * CAPACITY_FACTOR))  # per (expert, source-row) capacity, as in torch code
    # replicated router (DDP) == single linear + softmax, dropout in eval mode
    logits = jnp.einsum('btc,ce->bte', x, W_r) + b_r
    probs = jax.nn.softmax(logits, axis=-1)
    topk_probs, topk_experts = jax.lax.top_k(probs, K)          # [B, T, K]
    # torch nonzero order on (b, t, k) is lexicographic -> flatten (t, k)
    flat_e = topk_experts.reshape(Bx, N)
    flat_p = topk_probs.reshape(Bx, N)
    x_rep = jnp.repeat(x, K, axis=1)                             # [B, N, C], token for each (t, k) slot
    # position of each dispatched token within its (row, expert) group (1-based)
    oh = jax.nn.one_hot(flat_e, E, dtype=jnp.int32)              # [B, N, E]
    pos = jnp.take_along_axis(jnp.cumsum(oh, axis=1), flat_e[..., None], axis=2)[..., 0]
    keep = pos <= capacity                                       # tokens beyond capacity are dropped (padding_val output)
    slot = jnp.where(keep, pos - 1, capacity)                    # overflow tokens routed to dummy slot
    b_idx = jnp.broadcast_to(jnp.arange(Bx)[:, None], (Bx, N))
    # dispatch: scatter tokens into per-(row, expert) capacity buffers (all_to_all equivalent)
    buf = jnp.zeros((Bx, E, capacity + 1, Cx), dtype=x.dtype)
    buf = buf.at[b_idx, flat_e, slot].add(x_rep * keep[..., None].astype(x.dtype))
    # expert FeedForward: Linear -> ReLU -> Linear (dropout eval), distinct weights per expert
    h = jax.nn.relu(jnp.einsum('besc,ecf->besf', buf, W1) + b1[None, :, None, :])
    y = jnp.einsum('besf,efc->besc', h, W2) + b2[None, :, None, :]
    # return trip: gather expert outputs back to dispatched-token order
    y_tok = y[b_idx, flat_e, slot]
    y_tok = jnp.where(keep[..., None], y_tok, PADDING_VAL)       # dropped tokens -> padding_val
    # weight by router prob and scatter-add (index_add_) back to (b, t)
    weighted = y_tok * flat_p[..., None]
    out = weighted.reshape(Bx, Tx, K, Cx).sum(axis=2)
    return out

if __name__ == "__main__":
    import jax
    _d = setup_inputs()
    print(jax.jit(kernel)(*tuple(_d.values())))

</pallas_src>

<mosaic_0001>
#map = affine_map<(d0, d1) -> (0, 0)>
#map1 = affine_map<(d0, d1) -> (0)>
module attributes {stable_mosaic.version = 14 : i64} {
  func.func @k(%arg0: i32, %arg1: i32, %arg2: memref<8192x768xf32, #tpu.memory_space<hbm>>, %arg3: memref<10240xi32, #tpu.memory_space<hbm>>, %arg4: memref<10240x768xf32, #tpu.memory_space<hbm>>, %arg5: memref<32xi32, #tpu.memory_space<vmem>>, %arg6: memref<32x768xf32, #tpu.memory_space<vmem>>, %arg7: memref<!tpu.dma_semaphore, #tpu.memory_space<semaphore_mem>>) attributes {dimension_semantics = [#tpu.dimension_semantics<core_parallel>, #tpu.dimension_semantics<subcore_parallel>], iteration_bounds = array<i64: 2, 16>, scalar_prefetch = 0 : i64, scratch_operands = 3 : i64, tpu.core_type = #tpu.core_type<sc_vector_subcore>, window_params = [{transform_indices = #map}, {transform_indices = #map1}, {transform_indices = #map}]} {
    %mul3A = arith.constant 2 : i32
    %mul3A_0 = arith.muli %arg1, %mul3A : i32
    %add3A = arith.addi %mul3A_0, %arg0 : i32
    %mul3A_1 = arith.constant 320 : i32
    %mul3A_2 = arith.muli %add3A, %mul3A_1 : i32
    %scan3A = arith.constant 0 : i32
    %scan3A_3 = arith.constant 10 : i32
    %scan3A_4 = arith.addi %scan3A, %scan3A_3 : i32
    %scan3A_5 = arith.constant 1 : i32
    scf.for %scan3A_7 = %scan3A to %scan3A_4 step %scan3A_5  : i32 {
      %mul3A_8 = arith.constant 1 : i32
      %mul3A_9 = arith.muli %scan3A_7, %mul3A_8 : i32
      %add3A_10 = arith.constant 0 : i32
      %add3A_11 = arith.addi %add3A_10, %mul3A_9 : i32
      %mul3A_12 = arith.constant 32 : i32
      %mul3A_13 = arith.muli %add3A_11, %mul3A_12 : i32
      %add3A_14 = arith.addi %mul3A_2, %mul3A_13 : i32
      "tpu.region"() ({
        %run_scoped3A = tpu.sem_alloc : memref<!tpu.dma_semaphore, #tpu.memory_space<semaphore_mem>>
        %dma_start3A_19 = tpu.memref_slice %arg3[%add3A_14] : memref<10240xi32, #tpu.memory_space<hbm>> -> memref<32xi32, #tpu.memory_space<hbm>>
        %dma_start3A_20 = tpu.memref_slice %arg3[%add3A_14] : memref<10240xi32, #tpu.memory_space<hbm>> -> memref<32xi32, #tpu.memory_space<hbm>>
        tpu.enqueue_dma source(%dma_start3A_20 : memref<32xi32, #tpu.memory_space<hbm>>) target(%arg5 : memref<32xi32, #tpu.memory_space<vmem>>) target_semaphore(%run_scoped3A : memref<!tpu.dma_semaphore, #tpu.memory_space<semaphore_mem>>)
        %dma_wait3A_21 = tpu.memref_slice %arg3[%add3A_14] : memref<10240xi32, #tpu.memory_space<hbm>> -> memref<32xi32, #tpu.memory_space<hbm>>
        %dma_wait3A_22 = tpu.memref_slice %arg3[%add3A_14] : memref<10240xi32, #tpu.memory_space<hbm>> -> memref<32xi32, #tpu.memory_space<hbm>>
        tpu.wait_dma2 semaphore(%run_scoped3A : memref<!tpu.dma_semaphore, #tpu.memory_space<semaphore_mem>>) src(%dma_wait3A_22 : memref<32xi32, #tpu.memory_space<hbm>>) dst(%arg5 : memref<32xi32, #tpu.memory_space<vmem>>)
        tpu.yield
      }) : () -> ()
      %dma_start3A = arith.constant 0 : i32
      %dma_start3A_15 = arith.constant 0 : i32
      %dma_start3A_16 = tpu.memref_slice %arg2[%dma_start3A, %dma_start3A_15] : memref<8192x768xf32, #tpu.memory_space<hbm>> -> memref<8192x768xf32, #tpu.memory_space<hbm>>
      tpu.enqueue_indirect_dma source(%dma_start3A_16 : memref<8192x768xf32, #tpu.memory_space<hbm>>) target(%arg6 : memref<32x768xf32, #tpu.memory_space<vmem>>) offsets(%arg5 : memref<32xi32, #tpu.memory_space<vmem>>) semaphore(%arg7 : memref<!tpu.dma_semaphore, #tpu.memory_space<semaphore_mem>>)
      %dma_wait3A = arith.constant 0 : i32
      %dma_wait3A_17 = arith.constant 0 : i32
      %dma_wait3A_18 = tpu.memref_slice %arg2[%dma_wait3A, %dma_wait3A_17] : memref<8192x768xf32, #tpu.memory_space<hbm>> -> memref<8192x768xf32, #tpu.memory_space<hbm>>
      tpu.wait_indirect_dma semaphore(%arg7 : memref<!tpu.dma_semaphore, #tpu.memory_space<semaphore_mem>>) src(%dma_wait3A_18 : memref<8192x768xf32, #tpu.memory_space<hbm>>) dst(%arg6 : memref<32x768xf32, #tpu.memory_space<vmem>>)
      "tpu.region"() ({
        %run_scoped3A = tpu.sem_alloc : memref<!tpu.dma_semaphore, #tpu.memory_space<semaphore_mem>>
        %dma_start3A_19 = arith.constant 0 : i32
        %dma_start3A_20 = tpu.memref_slice %arg4[%add3A_14, %dma_start3A_19] : memref<10240x768xf32, #tpu.memory_space<hbm>> -> memref<32x768xf32, #tpu.memory_space<hbm>>
        %dma_start3A_21 = arith.constant 0 : i32
        %dma_start3A_22 = tpu.memref_slice %arg4[%add3A_14, %dma_start3A_21] : memref<10240x768xf32, #tpu.memory_space<hbm>> -> memref<32x768xf32, #tpu.memory_space<hbm>>
        tpu.enqueue_dma source(%arg6 : memref<32x768xf32, #tpu.memory_space<vmem>>) target(%dma_start3A_22 : memref<32x768xf32, #tpu.memory_space<hbm>>) target_semaphore(%run_scoped3A : memref<!tpu.dma_semaphore, #tpu.memory_space<semaphore_mem>>)
        %dma_wait3A_23 = arith.constant 0 : i32
        %dma_wait3A_24 = tpu.memref_slice %arg4[%add3A_14, %dma_wait3A_23] : memref<10240x768xf32, #tpu.memory_space<hbm>> -> memref<32x768xf32, #tpu.memory_space<hbm>>
        %dma_wait3A_25 = arith.constant 0 : i32
        %dma_wait3A_26 = tpu.memref_slice %arg4[%add3A_14, %dma_wait3A_25] : memref<10240x768xf32, #tpu.memory_space<hbm>> -> memref<32x768xf32, #tpu.memory_space<hbm>>
        tpu.wait_dma2 semaphore(%run_scoped3A : memref<!tpu.dma_semaphore, #tpu.memory_space<semaphore_mem>>) src(%arg6 : memref<32x768xf32, #tpu.memory_space<vmem>>) dst(%dma_wait3A_26 : memref<32x768xf32, #tpu.memory_space<hbm>>)
        tpu.yield
      }) : () -> ()
    }
    %scan3A_6 = arith.constant 10 : i32
    return
  }
}

module attributes {stable_mosaic.version = 14 : i64} {
  func.func @_router_kernel(%arg0: i32, %arg1: memref<512x768xf32, #tpu.memory_space<vmem>>, %arg2: memref<768x64xf32, #tpu.memory_space<vmem>>, %arg3: memref<1x64xf32, #tpu.memory_space<vmem>>, %arg4: memref<512x8xi32, #tpu.memory_space<vmem>>, %arg5: memref<512x8xf32, #tpu.memory_space<vmem>>, %arg6: memref<1x64xi32, #tpu.memory_space<vmem>>, %arg7: memref<1x64xf32, #tpu.memory_space<vmem>>) attributes {dimension_semantics = [#tpu.dimension_semantics<arbitrary>], iteration_bounds = array<i64: 16>, scalar_prefetch = 0 : i64, scratch_operands = 1 : i64, tpu.core_type = #tpu.core_type<tc>, window_params = [{transform_indices = @transform_0, window_bounds = array<i64: 512, 768>}, {pipeline_mode = #tpu.pipeline_mode<synchronous>, transform_indices = @transform_1, window_bounds = array<i64: 768, 64>}, {pipeline_mode = #tpu.pipeline_mode<synchronous>, transform_indices = @transform_2, window_bounds = array<i64: 1, 64>}, {transform_indices = @transform_3, window_bounds = array<i64: 512, 8>}, {transform_indices = @transform_4, window_bounds = array<i64: 512, 8>}, {pipeline_mode = #tpu.pipeline_mode<synchronous>, transform_indices = @transform_5, window_bounds = array<i64: 1, 64>}]} {
    %eq3A = arith.constant 0 : i32
    %eq3A_0 = arith.cmpi eq, %arg0, %eq3A : i32
    %convert_element_type3A = arith.extui %eq3A_0 : i1 to i32
    %cond3A = arith.constant 0 : i32
    %cond3A_1 = arith.cmpi ne, %convert_element_type3A, %cond3A : i32
    scf.if %cond3A_1 {
      %broadcast_in_dim3A_334 = arith.constant 0.000000e+00 : f32
      %broadcast_in_dim3A_335 = vector.broadcast %broadcast_in_dim3A_334 : f32 to vector<1x64xf32>
      %swap3A_336 = arith.constant 0 : index
      %swap3A_337 = arith.constant 0 : index
      %swap3A_338 = vector.load %arg7[%swap3A_336, %swap3A_337] : memref<1x64xf32, #tpu.memory_space<vmem>>, vector<1x64xf32>
      tpu.vector_store %arg7[%swap3A_336, %swap3A_337], %broadcast_in_dim3A_335 {strides = array<i32>} : memref<1x64xf32, #tpu.memory_space<vmem>>, vector<1x64xf32>,
    } else {
    }
    %get3A = arith.constant 0 : index
    %get3A_2 = arith.constant 0 : index
    %get3A_3 = vector.load %arg1[%get3A, %get3A_2] : memref<512x768xf32, #tpu.memory_space<vmem>>, vector<512x768xf32>
    %get3A_4 = arith.constant 0 : index
    %get3A_5 = arith.constant 0 : index
    %get3A_6 = vector.load %arg2[%get3A_4, %get3A_5] : memref<768x64xf32, #tpu.memory_space<vmem>>, vector<768x64xf32>
    %dot_general3A = arith.constant dense<0.000000e+00> : vector<512x64xf32>
    %dot_general3A_7 = tpu.matmul %get3A_3, %get3A_6, %dot_general3A {dimension_numbers = #tpu.dot_dimension_numbers<[1], [0], [0], [1], [0, 0, 1, 1], [], []>, transpose_lhs_hint = false} : vector<512x768xf32>, vector<768x64xf32>, vector<512x64xf32> -> vector<512x64xf32>
    %get3A_8 = arith.constant 0 : index
    %get3A_9 = arith.constant 0 : index
    %get3A_10 = vector.load %arg3[%get3A_8, %get3A_9] : memref<1x64xf32, #tpu.memory_space<vmem>>, vector<1x64xf32>
    %add3A = vector.broadcast %get3A_10 : vector<1x64xf32> to vector<512x64xf32>
    %add3A_11 = arith.addf %dot_general3A_7, %add3A : vector<512x64xf32>
    %reduce_max3A = arith.constant dense<0xFF800000> : vector<512xf32>
    %reduce_max3A_12 = vector.multi_reduction <maximumf>, %add3A_11, %reduce_max3A [1] : vector<512x64xf32> to vector<512xf32>
    %broadcast_in_dim3A = vector.shape_cast %reduce_max3A_12 : vector<512xf32> to vector<512x1xf32>
    %sub3A = vector.broadcast %broadcast_in_dim3A : vector<512x1xf32> to vector<512x64xf32>
    %sub3A_13 = arith.subf %add3A_11, %sub3A : vector<512x64xf32>
    %exp3A = math.exp %sub3A_13 : vector<512x64xf32>
    %reduce_sum3A = arith.constant dense<0.000000e+00> : vector<512xf32>
    %reduce_sum3A_14 = vector.multi_reduction <add>, %exp3A, %reduce_sum3A [1] : vector<512x64xf32> to vector<512xf32>
    %broadcast_in_dim3A_15 = vector.shape_cast %reduce_sum3A_14 : vector<512xf32> to vector<512x1xf32>
    %iota3A = tpu.iota {dimensions = array<i32: 1>} : vector<512x64xi32>
    %broadcast_in_dim3A_16 = arith.constant 0.000000e+00 : f32
    %broadcast_in_dim3A_17 = vector.broadcast %broadcast_in_dim3A_16 : f32 to vector<512x64xf32>
    %reduce_max3A_18 = arith.constant dense<0xFF800000> : vector<512xf32>
    %reduce_max3A_19 = vector.multi_reduction <maximumf>, %add3A_11, %reduce_max3A_18 [1] : vector<512x64xf32> to vector<512xf32>
    %broadcast_in_dim3A_20 = vector.shape_cast %reduce_max3A_19 : vector<512xf32> to vector<512x1xf32>
    %eq3A_21 = vector.broadcast %broadcast_in_dim3A_20 : vector<512x1xf32> to vector<512x64xf32>
    %eq3A_22 = arith.cmpf oeq, %add3A_11, %eq3A_21 : vector<512x64xf32>
    %jit3A = arith.constant 64 : i32
    %broadcast_in_dim3A_23 = vector.broadcast %jit3A : i32 to vector<512x64xi32>
    %select_n3A = arith.select %eq3A_22, %iota3A, %broadcast_in_dim3A_23 : vector<512x64xi1>, vector<512x64xi32>
    %reduce_min3A = arith.constant dense<2147483647> : vector<512xi32>
    %reduce_min3A_24 = vector.multi_reduction <minsi>, %select_n3A, %reduce_min3A [1] : vector<512x64xi32> to vector<512xi32>
    %broadcast_in_dim3A_25 = vector.shape_cast %reduce_min3A_24 : vector<512xi32> to vector<512x1xi32>
    %eq3A_26 = vector.broadcast %broadcast_in_dim3A_25 : vector<512x1xi32> to vector<512x64xi32>
    %eq3A_27 = arith.cmpi eq, %iota3A, %eq3A_26 : vector<512x64xi32>
    %jit3A_28 = arith.constant 0.000000e+00 : f32
    %broadcast_in_dim3A_29 = vector.broadcast %jit3A_28 : f32 to vector<512x64xf32>
    %select_n3A_30 = arith.select %eq3A_27, %exp3A, %broadcast_in_dim3A_29 : vector<512x64xi1>, vector<512x64xf32>
    %reduce_sum3A_31 = arith.constant dense<0.000000e+00> : vector<512xf32>
    %reduce_sum3A_32 = vector.multi_reduction <add>, %select_n3A_30, %reduce_sum3A_31 [1] : vector<512x64xf32> to vector<512xf32>
    %broadcast_in_dim3A_33 = vector.shape_cast %reduce_sum3A_32 : vector<512xf32> to vector<512x1xf32>
    %div3A = arith.divf %broadcast_in_dim3A_33, %broadcast_in_dim3A_15 : vector<512x1xf32>
    %convert_element_type3A_34 = arith.extui %eq3A_27 : vector<512x64xi1> to vector<512x64xi32>
    %convert_element_type3A_35 = arith.sitofp %convert_element_type3A_34 : vector<512x64xi32> to vector<512x64xf32>
    %add3A_36 = arith.addf %broadcast_in_dim3A_17, %convert_element_type3A_35 : vector<512x64xf32>
    %jit3A_37 = arith.constant 0xFF800000 : f32
    %broadcast_in_dim3A_38 = vector.broadcast %jit3A_37 : f32 to vector<512x64xf32>
    %select_n3A_39 = arith.select %eq3A_27, %broadcast_in_dim3A_38, %add3A_11 : vector<512x64xi1>, vector<512x64xf32>
    %reduce_max3A_40 = arith.constant dense<0xFF800000> : vector<512xf32>
    %reduce_max3A_41 = vector.multi_reduction <maximumf>, %select_n3A_39, %reduce_max3A_40 [1] : vector<512x64xf32> to vector<512xf32>
    %broadcast_in_dim3A_42 = vector.shape_cast %reduce_max3A_41 : vector<512xf32> to vector<512x1xf32>
    %eq3A_43 = vector.broadcast %broadcast_in_dim3A_42 : vector<512x1xf32> to vector<512x64xf32>
    %eq3A_44 = arith.cmpf oeq, %select_n3A_39, %eq3A_43 : vector<512x64xf32>
    %jit3A_45 = arith.constant 64 : i32
    %broadcast_in_dim3A_46 = vector.broadcast %jit3A_45 : i32 to vector<512x64xi32>
    %select_n3A_47 = arith.select %eq3A_44, %iota3A, %broadcast_in_dim3A_46 : vector<512x64xi1>, vector<512x64xi32>
    %reduce_min3A_48 = arith.constant dense<2147483647> : vector<512xi32>
    %reduce_min3A_49 = vector.multi_reduction <minsi>, %select_n3A_47, %reduce_min3A_48 [1] : vector<512x64xi32> to vector<512xi32>
    %broadcast_in_dim3A_50 = vector.shape_cast %reduce_min3A_49 : vector<512xi32> to vector<512x1xi32>
    %eq3A_51 = vector.broadcast %broadcast_in_dim3A_50 : vector<512x1xi32> to vector<512x64xi32>
    %eq3A_52 = arith.cmpi eq, %iota3A, %eq3A_51 : vector<512x64xi32>
    %jit3A_53 = arith.constant 0.000000e+00 : f32
    %broadcast_in_dim3A_54 = vector.broadcast %jit3A_53 : f32 to vector<512x64xf32>
    %select_n3A_55 = arith.select %eq3A_52, %exp3A, %broadcast_in_dim3A_54 : vector<512x64xi1>, vector<512x64xf32>
    %reduce_sum3A_56 = arith.constant dense<0.000000e+00> : vector<512xf32>
    %reduce_sum3A_57 = vector.multi_reduction <add>, %select_n3A_55, %reduce_sum3A_56 [1] : vector<512x64xf32> to vector<512xf32>
    %broadcast_in_dim3A_58 = vector.shape_cast %reduce_sum3A_57 : vector<512xf32> to vector<512x1xf32>
    %div3A_59 = arith.divf %broadcast_in_dim3A_58, %broadcast_in_dim3A_15 : vector<512x1xf32>
    %convert_element_type3A_60 = arith.extui %eq3A_52 : vector<512x64xi1> to vector<512x64xi32>
    %convert_element_type3A_61 = arith.sitofp %convert_element_type3A_60 : vector<512x64xi32> to vector<512x64xf32>
    %add3A_62 = arith.addf %add3A_36, %convert_element_type3A_61 : vector<512x64xf32>
    %jit3A_63 = arith.constant 0xFF800000 : f32
    %broadcast_in_dim3A_64 = vector.broadcast %jit3A_63 : f32 to vector<512x64xf32>
    %select_n3A_65 = arith.select %eq3A_52, %broadcast_in_dim3A_64, %select_n3A_39 : vector<512x64xi1>, vector<512x64xf32>
    %reduce_max3A_66 = arith.constant dense<0xFF800000> : vector<512xf32>
    %reduce_max3A_67 = vector.multi_reduction <maximumf>, %select_n3A_65, %reduce_max3A_66 [1] : vector<512x64xf32> to vector<512xf32>
    %broadcast_in_dim3A_68 = vector.shape_cast %reduce_max3A_67 : vector<512xf32> to vector<512x1xf32>
    %eq3A_69 = vector.broadcast %broadcast_in_dim3A_68 : vector<512x1xf32> to vector<512x64xf32>
    %eq3A_70 = arith.cmpf oeq, %select_n3A_65, %eq3A_69 : vector<512x64xf32>
    %jit3A_71 = arith.constant 64 : i32
    %broadcast_in_dim3A_72 = vector.broadcast %jit3A_71 : i32 to vector<512x64xi32>
    %select_n3A_73 = arith.select %eq3A_70, %iota3A, %broadcast_in_dim3A_72 : vector<512x64xi1>, vector<512x64xi32>
    %reduce_min3A_74 = arith.constant dense<2147483647> : vector<512xi32>
    %reduce_min3A_75 = vector.multi_reduction <minsi>, %select_n3A_73, %reduce_min3A_74 [1] : vector<512x64xi32> to vector<512xi32>
    %broadcast_in_dim3A_76 = vector.shape_cast %reduce_min3A_75 : vector<512xi32> to vector<512x1xi32>
    %eq3A_77 = vector.broadcast %broadcast_in_dim3A_76 : vector<512x1xi32> to vector<512x64xi32>
    %eq3A_78 = arith.cmpi eq, %iota3A, %eq3A_77 : vector<512x64xi32>
    %jit3A_79 = arith.constant 0.000000e+00 : f32
    %broadcast_in_dim3A_80 = vector.broadcast %jit3A_79 : f32 to vector<512x64xf32>
    %select_n3A_81 = arith.select %eq3A_78, %exp3A, %broadcast_in_dim3A_80 : vector<512x64xi1>, vector<512x64xf32>
    %reduce_sum3A_82 = arith.constant dense<0.000000e+00> : vector<512xf32>
    %reduce_sum3A_83 = vector.multi_reduction <add>, %select_n3A_81, %reduce_sum3A_82 [1] : vector<512x64xf32> to vector<512xf32>
    %broadcast_in_dim3A_84 = vector.shape_cast %reduce_sum3A_83 : vector<512xf32> to vector<512x1xf32>
    %div3A_85 = arith.divf %broadcast_in_dim3A_84, %broadcast_in_dim3A_15 : vector<512x1xf32>
    %convert_element_type3A_86 = arith.extui %eq3A_78 : vector<512x64xi1> to vector<512x64xi32>
    %convert_element_type3A_87 = arith.sitofp %convert_element_type3A_86 : vector<512x64xi32> to vector<512x64xf32>
    %add3A_88 = arith.addf %add3A_62, %convert_element_type3A_87 : vector<512x64xf32>
    %jit3A_89 = arith.constant 0xFF800000 : f32
    %broadcast_in_dim3A_90 = vector.broadcast %jit3A_89 : f32 to vector<512x64xf32>
    %select_n3A_91 = arith.select %eq3A_78, %broadcast_in_dim3A_90, %select_n3A_65 : vector<512x64xi1>, vector<512x64xf32>
    %reduce_max3A_92 = arith.constant dense<0xFF800000> : vector<512xf32>
    %reduce_max3A_93 = vector.multi_reduction <maximumf>, %select_n3A_91, %reduce_max3A_92 [1] : vector<512x64xf32> to vector<512xf32>
    %broadcast_in_dim3A_94 = vector.shape_cast %reduce_max3A_93 : vector<512xf32> to vector<512x1xf32>
    %eq3A_95 = vector.broadcast %broadcast_in_dim3A_94 : vector<512x1xf32> to vector<512x64xf32>
    %eq3A_96 = arith.cmpf oeq, %select_n3A_91, %eq3A_95 : vector<512x64xf32>
    %jit3A_97 = arith.constant 64 : i32
    %broadcast_in_dim3A_98 = vector.broadcast %jit3A_97 : i32 to vector<512x64xi32>
    %select_n3A_99 = arith.select %eq3A_96, %iota3A, %broadcast_in_dim3A_98 : vector<512x64xi1>, vector<512x64xi32>
    %reduce_min3A_100 = arith.constant dense<2147483647> : vector<512xi32>
    %reduce_min3A_101 = vector.multi_reduction <minsi>, %select_n3A_99, %reduce_min3A_100 [1] : vector<512x64xi32> to vector<512xi32>
    %broadcast_in_dim3A_102 = vector.shape_cast %reduce_min3A_101 : vector<512xi32> to vector<512x1xi32>
    %eq3A_103 = vector.broadcast %broadcast_in_dim3A_102 : vector<512x1xi32> to vector<512x64xi32>
    %eq3A_104 = arith.cmpi eq, %iota3A, %eq3A_103 : vector<512x64xi32>
    %jit3A_105 = arith.constant 0.000000e+00 : f32
    %broadcast_in_dim3A_106 = vector.broadcast %jit3A_105 : f32 to vector<512x64xf32>
    %select_n3A_107 = arith.select %eq3A_104, %exp3A, %broadcast_in_dim3A_106 : vector<512x64xi1>, vector<512x64xf32>
    %reduce_sum3A_108 = arith.constant dense<0.000000e+00> : vector<512xf32>
    %reduce_sum3A_109 = vector.multi_reduction <add>, %select_n3A_107, %reduce_sum3A_108 [1] : vector<512x64xf32> to vector<512xf32>
    %broadcast_in_dim3A_110 = vector.shape_cast %reduce_sum3A_109 : vector<512xf32> to vector<512x1xf32>
    %div3A_111 = arith.divf %broadcast_in_dim3A_110, %broadcast_in_dim3A_15 : vector<512x1xf32>
    %convert_element_type3A_112 = arith.extui %eq3A_104 : vector<512x64xi1> to vector<512x64xi32>
    %convert_element_type3A_113 = arith.sitofp %convert_element_type3A_112 : vector<512x64xi32> to vector<512x64xf32>
    %add3A_114 = arith.addf %add3A_88, %convert_element_type3A_113 : vector<512x64xf32>
    %jit3A_115 = arith.constant 0xFF800000 : f32
    %broadcast_in_dim3A_116 = vector.broadcast %jit3A_115 : f32 to vector<512x64xf32>
    %select_n3A_117 = arith.select %eq3A_104, %broadcast_in_dim3A_116, %select_n3A_91 : vector<512x64xi1>, vector<512x64xf32>
    %reduce_max3A_118 = arith.constant dense<0xFF800000> : vector<512xf32>
    %reduce_max3A_119 = vector.multi_reduction <maximumf>, %select_n3A_117, %reduce_max3A_118 [1] : vector<512x64xf32> to vector<512xf32>
    %broadcast_in_dim3A_120 = vector.shape_cast %reduce_max3A_119 : vector<512xf32> to vector<512x1xf32>
    %eq3A_121 = vector.broadcast %broadcast_in_dim3A_120 : vector<512x1xf32> to vector<512x64xf32>
    %eq3A_122 = arith.cmpf oeq, %select_n3A_117, %eq3A_121 : vector<512x64xf32>
    %jit3A_123 = arith.constant 64 : i32
    %broadcast_in_dim3A_124 = vector.broadcast %jit3A_123 : i32 to vector<512x64xi32>
    %select_n3A_125 = arith.select %eq3A_122, %iota3A, %broadcast_in_dim3A_124 : vector<512x64xi1>, vector<512x64xi32>
    %reduce_min3A_126 = arith.constant dense<2147483647> : vector<512xi32>
    %reduce_min3A_127 = vector.multi_reduction <minsi>, %select_n3A_125, %reduce_min3A_126 [1] : vector<512x64xi32> to vector<512xi32>
    %broadcast_in_dim3A_128 = vector.shape_cast %reduce_min3A_127 : vector<512xi32> to vector<512x1xi32>
    %eq3A_129 = vector.broadcast %broadcast_in_dim3A_128 : vector<512x1xi32> to vector<512x64xi32>
    %eq3A_130 = arith.cmpi eq, %iota3A, %eq3A_129 : vector<512x64xi32>
    %jit3A_131 = arith.constant 0.000000e+00 : f32
    %broadcast_in_dim3A_132 = vector.broadcast %jit3A_131 : f32 to vector<512x64xf32>
    %select_n3A_133 = arith.select %eq3A_130, %exp3A, %broadcast_in_dim3A_132 : vector<512x64xi1>, vector<512x64xf32>
    %reduce_sum3A_134 = arith.constant dense<0.000000e+00> : vector<512xf32>
    %reduce_sum3A_135 = vector.multi_reduction <add>, %select_n3A_133, %reduce_sum3A_134 [1] : vector<512x64xf32> to vector<512xf32>
    %broadcast_in_dim3A_136 = vector.shape_cast %reduce_sum3A_135 : vector<512xf32> to vector<512x1xf32>
    %div3A_137 = arith.divf %broadcast_in_dim3A_136, %broadcast_in_dim3A_15 : vector<512x1xf32>
    %convert_element_type3A_138 = arith.extui %eq3A_130 : vector<512x64xi1> to vector<512x64xi32>
    %convert_element_type3A_139 = arith.sitofp %convert_element_type3A_138 : vector<512x64xi32> to vector<512x64xf32>
    %add3A_140 = arith.addf %add3A_114, %convert_element_type3A_139 : vector<512x64xf32>
    %jit3A_141 = arith.constant 0xFF800000 : f32
    %broadcast_in_dim3A_142 = vector.broadcast %jit3A_141 : f32 to vector<512x64xf32>
    %select_n3A_143 = arith.select %eq3A_130, %broadcast_in_dim3A_142, %select_n3A_117 : vector<512x64xi1>, vector<512x64xf32>
    %reduce_max3A_144 = arith.constant dense<0xFF800000> : vector<512xf32>
    %reduce_max3A_145 = vector.multi_reduction <maximumf>, %select_n3A_143, %reduce_max3A_144 [1] : vector<512x64xf32> to vector<512xf32>
    %broadcast_in_dim3A_146 = vector.shape_cast %reduce_max3A_145 : vector<512xf32> to vector<512x1xf32>
    %eq3A_147 = vector.broadcast %broadcast_in_dim3A_146 : vector<512x1xf32> to vector<512x64xf32>
    %eq3A_148 = arith.cmpf oeq, %select_n3A_143, %eq3A_147 : vector<512x64xf32>
    %jit3A_149 = arith.constant 64 : i32
    %broadcast_in_dim3A_150 = vector.broadcast %jit3A_149 : i32 to vector<512x64xi32>
    %select_n3A_151 = arith.select %eq3A_148, %iota3A, %broadcast_in_dim3A_150 : vector<512x64xi1>, vector<512x64xi32>
    %reduce_min3A_152 = arith.constant dense<2147483647> : vector<512xi32>
    %reduce_min3A_153 = vector.multi_reduction <minsi>, %select_n3A_151, %reduce_min3A_152 [1] : vector<512x64xi32> to vector<512xi32>
    %broadcast_in_dim3A_154 = vector.shape_cast %reduce_min3A_153 : vector<512xi32> to vector<512x1xi32>
    %eq3A_155 = vector.broadcast %broadcast_in_dim3A_154 : vector<512x1xi32> to vector<512x64xi32>
    %eq3A_156 = arith.cmpi eq, %iota3A, %eq3A_155 : vector<512x64xi32>
    %jit3A_157 = arith.constant 0.000000e+00 : f32
    %broadcast_in_dim3A_158 = vector.broadcast %jit3A_157 : f32 to vector<512x64xf32>
    %select_n3A_159 = arith.select %eq3A_156, %exp3A, %broadcast_in_dim3A_158 : vector<512x64xi1>, vector<512x64xf32>
    %reduce_sum3A_160 = arith.constant dense<0.000000e+00> : vector<512xf32>
    %reduce_sum3A_161 = vector.multi_reduction <add>, %select_n3A_159, %reduce_sum3A_160 [1] : vector<512x64xf32> to vector<512xf32>
    %broadcast_in_dim3A_162 = vector.shape_cast %reduce_sum3A_161 : vector<512xf32> to vector<512x1xf32>
    %div3A_163 = arith.divf %broadcast_in_dim3A_162, %broadcast_in_dim3A_15 : vector<512x1xf32>
    %convert_element_type3A_164 = arith.extui %eq3A_156 : vector<512x64xi1> to vector<512x64xi32>
    %convert_element_type3A_165 = arith.sitofp %convert_element_type3A_164 : vector<512x64xi32> to vector<512x64xf32>
    %add3A_166 = arith.addf %add3A_140, %convert_element_type3A_165 : vector<512x64xf32>
    %jit3A_167 = arith.constant 0xFF800000 : f32
    %broadcast_in_dim3A_168 = vector.broadcast %jit3A_167 : f32 to vector<512x64xf32>
    %select_n3A_169 = arith.select %eq3A_156, %broadcast_in_dim3A_168, %select_n3A_143 : vector<512x64xi1>, vector<512x64xf32>
    %reduce_max3A_170 = arith.constant dense<0xFF800000> : vector<512xf32>
    %reduce_max3A_171 = vector.multi_reduction <maximumf>, %select_n3A_169, %reduce_max3A_170 [1] : vector<512x64xf32> to vector<512xf32>
    %broadcast_in_dim3A_172 = vector.shape_cast %reduce_max3A_171 : vector<512xf32> to vector<512x1xf32>
    %eq3A_173 = vector.broadcast %broadcast_in_dim3A_172 : vector<512x1xf32> to vector<512x64xf32>
    %eq3A_174 = arith.cmpf oeq, %select_n3A_169, %eq3A_173 : vector<512x64xf32>
    %jit3A_175 = arith.constant 64 : i32
    %broadcast_in_dim3A_176 = vector.broadcast %jit3A_175 : i32 to vector<512x64xi32>
    %select_n3A_177 = arith.select %eq3A_174, %iota3A, %broadcast_in_dim3A_176 : vector<512x64xi1>, vector<512x64xi32>
    %reduce_min3A_178 = arith.constant dense<2147483647> : vector<512xi32>
    %reduce_min3A_179 = vector.multi_reduction <minsi>, %select_n3A_177, %reduce_min3A_178 [1] : vector<512x64xi32> to vector<512xi32>
    %broadcast_in_dim3A_180 = vector.shape_cast %reduce_min3A_179 : vector<512xi32> to vector<512x1xi32>
    %eq3A_181 = vector.broadcast %broadcast_in_dim3A_180 : vector<512x1xi32> to vector<512x64xi32>
    %eq3A_182 = arith.cmpi eq, %iota3A, %eq3A_181 : vector<512x64xi32>
    %jit3A_183 = arith.constant 0.000000e+00 : f32
    %broadcast_in_dim3A_184 = vector.broadcast %jit3A_183 : f32 to vector<512x64xf32>
    %select_n3A_185 = arith.select %eq3A_182, %exp3A, %broadcast_in_dim3A_184 : vector<512x64xi1>, vector<512x64xf32>
    %reduce_sum3A_186 = arith.constant dense<0.000000e+00> : vector<512xf32>
    %reduce_sum3A_187 = vector.multi_reduction <add>, %select_n3A_185, %reduce_sum3A_186 [1] : vector<512x64xf32> to vector<512xf32>
    %broadcast_in_dim3A_188 = vector.shape_cast %reduce_sum3A_187 : vector<512xf32> to vector<512x1xf32>
    %div3A_189 = arith.divf %broadcast_in_dim3A_188, %broadcast_in_dim3A_15 : vector<512x1xf32>
    %convert_element_type3A_190 = arith.extui %eq3A_182 : vector<512x64xi1> to vector<512x64xi32>
    %convert_element_type3A_191 = arith.sitofp %convert_element_type3A_190 : vector<512x64xi32> to vector<512x64xf32>
    %add3A_192 = arith.addf %add3A_166, %convert_element_type3A_191 : vector<512x64xf32>
    %jit3A_193 = arith.constant 0xFF800000 : f32
    %broadcast_in_dim3A_194 = vector.broadcast %jit3A_193 : f32 to vector<512x64xf32>
    %select_n3A_195 = arith.select %eq3A_182, %broadcast_in_dim3A_194, %select_n3A_169 : vector<512x64xi1>, vector<512x64xf32>
    %reduce_max3A_196 = arith.constant dense<0xFF800000> : vector<512xf32>
    %reduce_max3A_197 = vector.multi_reduction <maximumf>, %select_n3A_195, %reduce_max3A_196 [1] : vector<512x64xf32> to vector<512xf32>
    %broadcast_in_dim3A_198 = vector.shape_cast %reduce_max3A_197 : vector<512xf32> to vector<512x1xf32>
    %eq3A_199 = vector.broadcast %broadcast_in_dim3A_198 : vector<512x1xf32> to vector<512x64xf32>
    %eq3A_200 = arith.cmpf oeq, %select_n3A_195, %eq3A_199 : vector<512x64xf32>
    %jit3A_201 = arith.constant 64 : i32
    %broadcast_in_dim3A_202 = vector.broadcast %jit3A_201 : i32 to vector<512x64xi32>
    %select_n3A_203 = arith.select %eq3A_200, %iota3A, %broadcast_in_dim3A_202 : vector<512x64xi1>, vector<512x64xi32>
    %reduce_min3A_204 = arith.constant dense<2147483647> : vector<512xi32>
    %reduce_min3A_205 = vector.multi_reduction <minsi>, %select_n3A_203, %reduce_min3A_204 [1] : vector<512x64xi32> to vector<512xi32>
    %broadcast_in_dim3A_206 = vector.shape_cast %reduce_min3A_205 : vector<512xi32> to vector<512x1xi32>
    %eq3A_207 = vector.broadcast %broadcast_in_dim3A_206 : vector<512x1xi32> to vector<512x64xi32>
    %eq3A_208 = arith.cmpi eq, %iota3A, %eq3A_207 : vector<512x64xi32>
    %jit3A_209 = arith.constant 0.000000e+00 : f32
    %broadcast_in_dim3A_210 = vector.broadcast %jit3A_209 : f32 to vector<512x64xf32>
    %select_n3A_211 = arith.select %eq3A_208, %exp3A, %broadcast_in_dim3A_210 : vector<512x64xi1>, vector<512x64xf32>
    %reduce_sum3A_212 = arith.constant dense<0.000000e+00> : vector<512xf32>
    %reduce_sum3A_213 = vector.multi_reduction <add>, %select_n3A_211, %reduce_sum3A_212 [1] : vector<512x64xf32> to vector<512xf32>
    %broadcast_in_dim3A_214 = vector.shape_cast %reduce_sum3A_213 : vector<512xf32> to vector<512x1xf32>
    %div3A_215 = arith.divf %broadcast_in_dim3A_214, %broadcast_in_dim3A_15 : vector<512x1xf32>
    %convert_element_type3A_216 = arith.extui %eq3A_208 : vector<512x64xi1> to vector<512x64xi32>
    %convert_element_type3A_217 = arith.sitofp %convert_element_type3A_216 : vector<512x64xi32> to vector<512x64xf32>
    %add3A_218 = arith.addf %add3A_192, %convert_element_type3A_217 : vector<512x64xf32>
    %iota3A_219 = tpu.iota {dimensions = array<i32: 0>} : vector<512x512xi32>
    %iota3A_220 = tpu.iota {dimensions = array<i32: 1>} : vector<512x512xi32>
    %gt3A = arith.cmpi sgt, %iota3A_219, %iota3A_220 : vector<512x512xi32>
    %convert_element_type3A_221 = arith.extui %gt3A : vector<512x512xi1> to vector<512x512xi32>
    %convert_element_type3A_222 = arith.sitofp %convert_element_type3A_221 : vector<512x512xi32> to vector<512x512xf32>
    %dot_general3A_223 = arith.constant dense<0.000000e+00> : vector<512x64xf32>
    %dot_general3A_224 = tpu.matmul %convert_element_type3A_222, %add3A_218, %dot_general3A_223 {dimension_numbers = #tpu.dot_dimension_numbers<[1], [0], [0], [1], [0, 0, 1, 1], [], []>, transpose_lhs_hint = false} : vector<512x512xf32>, vector<512x64xf32>, vector<512x64xf32> -> vector<512x64xf32>
    %get3A_225 = arith.constant 0 : index
    %get3A_226 = arith.constant 0 : index
    %get3A_227 = vector.load %arg7[%get3A_225, %get3A_226] : memref<1x64xf32, #tpu.memory_space<vmem>>, vector<1x64xf32>
    %add3A_228 = vector.broadcast %get3A_227 : vector<1x64xf32> to vector<512x64xf32>
    %add3A_229 = arith.addf %dot_general3A_224, %add3A_228 : vector<512x64xf32>
    %eq3A_230 = vector.broadcast %broadcast_in_dim3A_25 : vector<512x1xi32> to vector<512x64xi32>
    %eq3A_231 = arith.cmpi eq, %iota3A, %eq3A_230 : vector<512x64xi32>
    %jit3A_232 = arith.constant 0.000000e+00 : f32
    %broadcast_in_dim3A_233 = vector.broadcast %jit3A_232 : f32 to vector<512x64xf32>
    %select_n3A_234 = arith.select %eq3A_231, %add3A_229, %broadcast_in_dim3A_233 : vector<512x64xi1>, vector<512x64xf32>
    %reduce_sum3A_235 = arith.constant dense<0.000000e+00> : vector<512xf32>
    %reduce_sum3A_236 = vector.multi_reduction <add>, %select_n3A_234, %reduce_sum3A_235 [1] : vector<512x64xf32> to vector<512xf32>
    %broadcast_in_dim3A_237 = vector.shape_cast %reduce_sum3A_236 : vector<512xf32> to vector<512x1xf32>
    %eq3A_238 = vector.broadcast %broadcast_in_dim3A_50 : vector<512x1xi32> to vector<512x64xi32>
    %eq3A_239 = arith.cmpi eq, %iota3A, %eq3A_238 : vector<512x64xi32>
    %jit3A_240 = arith.constant 0.000000e+00 : f32
    %broadcast_in_dim3A_241 = vector.broadcast %jit3A_240 : f32 to vector<512x64xf32>
    %select_n3A_242 = arith.select %eq3A_239, %add3A_229, %broadcast_in_dim3A_241 : vector<512x64xi1>, vector<512x64xf32>
    %reduce_sum3A_243 = arith.constant dense<0.000000e+00> : vector<512xf32>
    %reduce_sum3A_244 = vector.multi_reduction <add>, %select_n3A_242, %reduce_sum3A_243 [1] : vector<512x64xf32> to vector<512xf32>
    %broadcast_in_dim3A_245 = vector.shape_cast %reduce_sum3A_244 : vector<512xf32> to vector<512x1xf32>
    %eq3A_246 = vector.broadcast %broadcast_in_dim3A_76 : vector<512x1xi32> to vector<512x64xi32>
    %eq3A_247 = arith.cmpi eq, %iota3A, %eq3A_246 : vector<512x64xi32>
    %jit3A_248 = arith.constant 0.000000e+00 : f32
    %broadcast_in_dim3A_249 = vector.broadcast %jit3A_248 : f32 to vector<512x64xf32>
    %select_n3A_250 = arith.select %eq3A_247, %add3A_229, %broadcast_in_dim3A_249 : vector<512x64xi1>, vector<512x64xf32>
    %reduce_sum3A_251 = arith.constant dense<0.000000e+00> : vector<512xf32>
    %reduce_sum3A_252 = vector.multi_reduction <add>, %select_n3A_250, %reduce_sum3A_251 [1] : vector<512x64xf32> to vector<512xf32>
    %broadcast_in_dim3A_253 = vector.shape_cast %reduce_sum3A_252 : vector<512xf32> to vector<512x1xf32>
    %eq3A_254 = vector.broadcast %broadcast_in_dim3A_102 : vector<512x1xi32> to vector<512x64xi32>
    %eq3A_255 = arith.cmpi eq, %iota3A, %eq3A_254 : vector<512x64xi32>
    %jit3A_256 = arith.constant 0.000000e+00 : f32
    %broadcast_in_dim3A_257 = vector.broadcast %jit3A_256 : f32 to vector<512x64xf32>
    %select_n3A_258 = arith.select %eq3A_255, %add3A_229, %broadcast_in_dim3A_257 : vector<512x64xi1>, vector<512x64xf32>
    %reduce_sum3A_259 = arith.constant dense<0.000000e+00> : vector<512xf32>
    %reduce_sum3A_260 = vector.multi_reduction <add>, %select_n3A_258, %reduce_sum3A_259 [1] : vector<512x64xf32> to vector<512xf32>
    %broadcast_in_dim3A_261 = vector.shape_cast %reduce_sum3A_260 : vector<512xf32> to vector<512x1xf32>
    %eq3A_262 = vector.broadcast %broadcast_in_dim3A_128 : vector<512x1xi32> to vector<512x64xi32>
    %eq3A_263 = arith.cmpi eq, %iota3A, %eq3A_262 : vector<512x64xi32>
    %jit3A_264 = arith.constant 0.000000e+00 : f32
    %broadcast_in_dim3A_265 = vector.broadcast %jit3A_264 : f32 to vector<512x64xf32>
    %select_n3A_266 = arith.select %eq3A_263, %add3A_229, %broadcast_in_dim3A_265 : vector<512x64xi1>, vector<512x64xf32>
    %reduce_sum3A_267 = arith.constant dense<0.000000e+00> : vector<512xf32>
    %reduce_sum3A_268 = vector.multi_reduction <add>, %select_n3A_266, %reduce_sum3A_267 [1] : vector<512x64xf32> to vector<512xf32>
    %broadcast_in_dim3A_269 = vector.shape_cast %reduce_sum3A_268 : vector<512xf32> to vector<512x1xf32>
    %eq3A_270 = vector.broadcast %broadcast_in_dim3A_154 : vector<512x1xi32> to vector<512x64xi32>
    %eq3A_271 = arith.cmpi eq, %iota3A, %eq3A_270 : vector<512x64xi32>
    %jit3A_272 = arith.constant 0.000000e+00 : f32
    %broadcast_in_dim3A_273 = vector.broadcast %jit3A_272 : f32 to vector<512x64xf32>
    %select_n3A_274 = arith.select %eq3A_271, %add3A_229, %broadcast_in_dim3A_273 : vector<512x64xi1>, vector<512x64xf32>
    %reduce_sum3A_275 = arith.constant dense<0.000000e+00> : vector<512xf32>
    %reduce_sum3A_276 = vector.multi_reduction <add>, %select_n3A_274, %reduce_sum3A_275 [1] : vector<512x64xf32> to vector<512xf32>
    %broadcast_in_dim3A_277 = vector.shape_cast %reduce_sum3A_276 : vector<512xf32> to vector<512x1xf32>
    %eq3A_278 = vector.broadcast %broadcast_in_dim3A_180 : vector<512x1xi32> to vector<512x64xi32>
    %eq3A_279 = arith.cmpi eq, %iota3A, %eq3A_278 : vector<512x64xi32>
    %jit3A_280 = arith.constant 0.000000e+00 : f32
    %broadcast_in_dim3A_281 = vector.broadcast %jit3A_280 : f32 to vector<512x64xf32>
    %select_n3A_282 = arith.select %eq3A_279, %add3A_229, %broadcast_in_dim3A_281 : vector<512x64xi1>, vector<512x64xf32>
    %reduce_sum3A_283 = arith.constant dense<0.000000e+00> : vector<512xf32>
    %reduce_sum3A_284 = vector.multi_reduction <add>, %select_n3A_282, %reduce_sum3A_283 [1] : vector<512x64xf32> to vector<512xf32>
    %broadcast_in_dim3A_285 = vector.shape_cast %reduce_sum3A_284 : vector<512xf32> to vector<512x1xf32>
    %eq3A_286 = vector.broadcast %broadcast_in_dim3A_206 : vector<512x1xi32> to vector<512x64xi32>
    %eq3A_287 = arith.cmpi eq, %iota3A, %eq3A_286 : vector<512x64xi32>
    %jit3A_288 = arith.constant 0.000000e+00 : f32
    %broadcast_in_dim3A_289 = vector.broadcast %jit3A_288 : f32 to vector<512x64xf32>
    %select_n3A_290 = arith.select %eq3A_287, %add3A_229, %broadcast_in_dim3A_289 : vector<512x64xi1>, vector<512x64xf32>
    %reduce_sum3A_291 = arith.constant dense<0.000000e+00> : vector<512xf32>
    %reduce_sum3A_292 = vector.multi_reduction <add>, %select_n3A_290, %reduce_sum3A_291 [1] : vector<512x64xf32> to vector<512xf32>
    %broadcast_in_dim3A_293 = vector.shape_cast %reduce_sum3A_292 : vector<512xf32> to vector<512x1xf32>
    %concatenate3A = tpu.concatenate %broadcast_in_dim3A_237, %broadcast_in_dim3A_245, %broadcast_in_dim3A_253, %broadcast_in_dim3A_261, %broadcast_in_dim3A_269, %broadcast_in_dim3A_277, %broadcast_in_dim3A_285, %broadcast_in_dim3A_293 in 1 : vector<512x1xf32>, vector<512x1xf32>, vector<512x1xf32>, vector<512x1xf32>, vector<512x1xf32>, vector<512x1xf32>, vector<512x1xf32>, vector<512x1xf32> -> vector<512x8xf32>
    %convert_element_type3A_294 = arith.fptosi %concatenate3A : vector<512x8xf32> to vector<512x8xi32>
    %add3A_295 = arith.constant 1 : i32
    %add3A_296 = vector.broadcast %add3A_295 : i32 to vector<512x8xi32>
    %add3A_297 = arith.addi %convert_element_type3A_294, %add3A_296 : vector<512x8xi32>
    %concatenate3A_298 = tpu.concatenate %broadcast_in_dim3A_25, %broadcast_in_dim3A_50, %broadcast_in_dim3A_76, %broadcast_in_dim3A_102, %broadcast_in_dim3A_128, %broadcast_in_dim3A_154, %broadcast_in_dim3A_180, %broadcast_in_dim3A_206 in 1 : vector<512x1xi32>, vector<512x1xi32>, vector<512x1xi32>, vector<512x1xi32>, vector<512x1xi32>, vector<512x1xi32>, vector<512x1xi32>, vector<512x1xi32> -> vector<512x8xi32>
    %concatenate3A_299 = tpu.concatenate %div3A, %div3A_59, %div3A_85, %div3A_111, %div3A_137, %div3A_163, %div3A_189, %div3A_215 in 1 : vector<512x1xf32>, vector<512x1xf32>, vector<512x1xf32>, vector<512x1xf32>, vector<512x1xf32>, vector<512x1xf32>, vector<512x1xf32>, vector<512x1xf32> -> vector<512x8xf32>
    %le3A = arith.constant 160 : i32
    %le3A_300 = vector.broadcast %le3A : i32 to vector<512x8xi32>
    %le3A_301 = arith.cmpi sle, %add3A_297, %le3A_300 : vector<512x8xi32>
    %mul3A = arith.constant 160 : i32
    %mul3A_302 = vector.broadcast %mul3A : i32 to vector<512x8xi32>
    %mul3A_303 = arith.muli %concatenate3A_298, %mul3A_302 : vector<512x8xi32>
    %sub3A_304 = arith.constant 1 : i32
    %sub3A_305 = vector.broadcast %sub3A_304 : i32 to vector<512x8xi32>
    %sub3A_306 = arith.subi %add3A_297, %sub3A_305 : vector<512x8xi32>
    %add3A_307 = arith.addi %mul3A_303, %sub3A_306 : vector<512x8xi32>
    %jit3A_308 = arith.constant 10240 : i32
    %broadcast_in_dim3A_309 = vector.broadcast %jit3A_308 : i32 to vector<512x8xi32>
    %select_n3A_310 = arith.select %le3A_301, %add3A_307, %broadcast_in_dim3A_309 : vector<512x8xi1>, vector<512x8xi32>
    %swap3A = arith.constant 0 : index
    %swap3A_311 = arith.constant 0 : index
    %swap3A_312 = vector.load %arg4[%swap3A, %swap3A_311] : memref<512x8xi32, #tpu.memory_space<vmem>>, vector<512x8xi32>
    tpu.vector_store %arg4[%swap3A, %swap3A_311], %select_n3A_310 {strides = array<i32>} : memref<512x8xi32, #tpu.memory_space<vmem>>, vector<512x8xi32>,
    %jit3A_313 = arith.constant 0.000000e+00 : f32
    %broadcast_in_dim3A_314 = vector.broadcast %jit3A_313 : f32 to vector<512x8xf32>
    %select_n3A_315 = arith.select %le3A_301, %concatenate3A_299, %broadcast_in_dim3A_314 : vector<512x8xi1>, vector<512x8xf32>
    %swap3A_316 = arith.constant 0 : index
    %swap3A_317 = arith.constant 0 : index
    %swap3A_318 = vector.load %arg5[%swap3A_316, %swap3A_317] : memref<512x8xf32, #tpu.memory_space<vmem>>, vector<512x8xf32>
    tpu.vector_store %arg5[%swap3A_316, %swap3A_317], %select_n3A_315 {strides = array<i32>} : memref<512x8xf32, #tpu.memory_space<vmem>>, vector<512x8xf32>,
    %get3A_319 = arith.constant 0 : index
    %get3A_320 = arith.constant 0 : index
    %get3A_321 = vector.load %arg7[%get3A_319, %get3A_320] : memref<1x64xf32, #tpu.memory_space<vmem>>, vector<1x64xf32>
    %reduce_sum3A_322 = arith.constant dense<0.000000e+00> : vector<64xf32>
    %reduce_sum3A_323 = vector.multi_reduction <add>, %add3A_218, %reduce_sum3A_322 [0] : vector<512x64xf32> to vector<64xf32>
    %broadcast_in_dim3A_324 = vector.shape_cast %reduce_sum3A_323 : vector<64xf32> to vector<1x64xf32>
    %add3A_325 = arith.addf %get3A_321, %broadcast_in_dim3A_324 : vector<1x64xf32>
    %swap3A_326 = arith.constant 0 : index
    %swap3A_327 = arith.constant 0 : index
    %swap3A_328 = vector.load %arg7[%swap3A_326, %swap3A_327] : memref<1x64xf32, #tpu.memory_space<vmem>>, vector<1x64xf32>
    tpu.vector_store %arg7[%swap3A_326, %swap3A_327], %add3A_325 {strides = array<i32>} : memref<1x64xf32, #tpu.memory_space<vmem>>, vector<1x64xf32>,
    %eq3A_329 = arith.constant 15 : i32
    %eq3A_330 = arith.cmpi eq, %arg0, %eq3A_329 : i32
    %convert_element_type3A_331 = arith.extui %eq3A_330 : i1 to i32
    %cond3A_332 = arith.constant 0 : i32
    %cond3A_333 = arith.cmpi ne, %convert_element_type3A_331, %cond3A_332 : i32
    scf.if %cond3A_333 {
      %get3A_334 = arith.constant 0 : index
      %get3A_335 = arith.constant 0 : index
      %get3A_336 = vector.load %arg7[%get3A_334, %get3A_335] : memref<1x64xf32, #tpu.memory_space<vmem>>, vector<1x64xf32>
      %convert_element_type3A_337 = arith.fptosi %get3A_336 : vector<1x64xf32> to vector<1x64xi32>
      %swap3A_338 = arith.constant 0 : index
      %swap3A_339 = arith.constant 0 : index
      %swap3A_340 = vector.load %arg6[%swap3A_338, %swap3A_339] : memref<1x64xi32, #tpu.memory_space<vmem>>, vector<1x64xi32>
      tpu.vector_store %arg6[%swap3A_338, %swap3A_339], %convert_element_type3A_337 {strides = array<i32>} : memref<1x64xi32, #tpu.memory_space<vmem>>, vector<1x64xi32>,
    } else {
    }
    return
  }
  func.func @transform_0(%arg0: i32) -> (i32, i32) {
    %c0_i32 = arith.constant 0 : i32
    %c0_i32_0 = arith.constant 0 : i32
    return %arg0, %c0_i32 : i32, i32
  }
  func.func @transform_1(%arg0: i32) -> (i32, i32) {
    %c0_i32 = arith.constant 0 : i32
    %c0_i32_0 = arith.constant 0 : i32
    %c0_i32_1 = arith.constant 0 : i32
    return %c0_i32, %c0_i32_0 : i32, i32
  }
  func.func @transform_2(%arg0: i32) -> (i32, i32) {
    %c0_i32 = arith.constant 0 : i32
    %c0_i32_0 = arith.constant 0 : i32
    %c0_i32_1 = arith.constant 0 : i32
    return %c0_i32, %c0_i32_0 : i32, i32
  }
  func.func @transform_3(%arg0: i32) -> (i32, i32) {
    %c0_i32 = arith.constant 0 : i32
    %c0_i32_0 = arith.constant 0 : i32
    return %arg0, %c0_i32 : i32, i32
  }
  func.func @transform_4(%arg0: i32) -> (i32, i32) {
    %c0_i32 = arith.constant 0 : i32
    %c0_i32_0 = arith.constant 0 : i32
    return %arg0, %c0_i32 : i32, i32
  }
  func.func @transform_5(%arg0: i32) -> (i32, i32) {
    %c0_i32 = arith.constant 0 : i32
    %c0_i32_0 = arith.constant 0 : i32
    %c0_i32_1 = arith.constant 0 : i32
    return %c0_i32, %c0_i32_0 : i32, i32
  }
}

module attributes {stable_mosaic.version = 14 : i64} {
  func.func @_ffn_combine_kernel(%arg0: i32, %arg1: memref<64xi32, #tpu.memory_space<smem>>, %arg2: memref<10240xi32, #tpu.memory_space<smem>>, %arg3: memref<1x160x768xf32, #tpu.memory_space<vmem>>, %arg4: memref<1x1x384x3072xf32, #tpu.memory_space<vmem>>, %arg5: memref<1x1x384x3072xf32, #tpu.memory_space<vmem>>, %arg6: memref<1x1x768x768xf32, #tpu.memory_space<vmem>>, %arg7: memref<1x1x768x768xf32, #tpu.memory_space<vmem>>, %arg8: memref<1x1x768x768xf32, #tpu.memory_space<vmem>>, %arg9: memref<1x1x768x768xf32, #tpu.memory_space<vmem>>, %arg10: memref<1x1x3072xf32, #tpu.memory_space<vmem>>, %arg11: memref<1x1x768xf32, #tpu.memory_space<vmem>>, %arg12: memref<1x160x1xf32, #tpu.memory_space<vmem>>, %arg13: memref<8192x768xf32, #tpu.memory_space<vmem>>, %arg14: memref<4x160x768xbf16, #tpu.memory_space<vmem>>, %arg15: memref<160x768xf32, #tpu.memory_space<vmem>>) attributes {dimension_semantics = [#tpu.dimension_semantics<arbitrary>], iteration_bounds = array<i64: 64>, scalar_prefetch = 2 : i64, scratch_operands = 2 : i64, tpu.core_type = #tpu.core_type<tc>, window_params = [{transform_indices = @transform_0, window_bounds = array<i64: 1, 160, 768>}, {transform_indices = @transform_1, window_bounds = array<i64: 1, 1, 384, 3072>}, {transform_indices = @transform_2, window_bounds = array<i64: 1, 1, 384, 3072>}, {transform_indices = @transform_3, window_bounds = array<i64: 1, 1, 768, 768>}, {transform_indices = @transform_4, window_bounds = array<i64: 1, 1, 768, 768>}, {transform_indices = @transform_5, window_bounds = array<i64: 1, 1, 768, 768>}, {transform_indices = @transform_6, window_bounds = array<i64: 1, 1, 768, 768>}, {transform_indices = @transform_7, window_bounds = array<i64: 1, 1, 3072>}, {transform_indices = @transform_8, window_bounds = array<i64: 1, 1, 768>}, {transform_indices = @transform_9, window_bounds = array<i64: 1, 160, 1>}, {pipeline_mode = #tpu.pipeline_mode<synchronous>, transform_indices = @transform_10, window_bounds = array<i64: 8192, 768>}]} {
    %eq3A = arith.constant 0 : i32
    %eq3A_0 = arith.cmpi eq, %arg0, %eq3A : i32
    %convert_element_type3A = arith.extui %eq3A_0 : i1 to i32
    %cond3A = arith.constant 0 : i32
    %cond3A_1 = arith.cmpi ne, %convert_element_type3A, %cond3A : i32
    scf.if %cond3A_1 {
      %broadcast_in_dim3A_267 = arith.constant 0.000000e+00 : f32
      %broadcast_in_dim3A_268 = vector.broadcast %broadcast_in_dim3A_267 : f32 to vector<8192x768xf32>
      %swap3A_269 = arith.constant 0 : index
      %swap3A_270 = arith.constant 0 : index
      %swap3A_271 = vector.load %arg13[%swap3A_269, %swap3A_270] : memref<8192x768xf32, #tpu.memory_space<vmem>>, vector<8192x768xf32>
      tpu.vector_store %arg13[%swap3A_269, %swap3A_270], %broadcast_in_dim3A_268 {strides = array<i32>} : memref<8192x768xf32, #tpu.memory_space<vmem>>, vector<8192x768xf32>,
    } else {
    }
    %get3A = arith.constant 0 : index
    %get3A_2 = arith.constant 0 : index
    %get3A_3 = arith.constant 0 : index
    %get3A_4 = vector.load %arg3[%get3A, %get3A_2, %get3A_3] : memref<1x160x768xf32, #tpu.memory_space<vmem>>, vector<1x160x768xf32>
    %get3A_5 = vector.shape_cast %get3A_4 : vector<1x160x768xf32> to vector<160x768xf32>
    %convert_element_type3A_6 = arith.truncf %get3A_5 : vector<160x768xf32> to vector<160x768xbf16>
    %slice3A = vector.extract_strided_slice %convert_element_type3A_6 {offsets = [0, 0], sizes = [160, 384], strides = [1, 1]} : vector<160x768xbf16> to vector<160x384xbf16>
    %slice3A_7 = vector.extract_strided_slice %convert_element_type3A_6 {offsets = [0, 384], sizes = [160, 384], strides = [1, 1]} : vector<160x768xbf16> to vector<160x384xbf16>
    %get3A_8 = arith.constant 0 : index
    %get3A_9 = arith.constant 0 : index
    %get3A_10 = arith.constant 0 : index
    %get3A_11 = arith.constant 0 : index
    %get3A_12 = vector.load %arg4[%get3A_8, %get3A_9, %get3A_10, %get3A_11] : memref<1x1x384x3072xf32, #tpu.memory_space<vmem>>, vector<1x1x384x3072xf32>
    %get3A_13 = vector.shape_cast %get3A_12 : vector<1x1x384x3072xf32> to vector<384x3072xf32>
    %slice3A_14 = vector.extract_strided_slice %get3A_13 {offsets = [0, 0], sizes = [384, 768], strides = [1, 1]} : vector<384x3072xf32> to vector<384x768xf32>
    %convert_element_type3A_15 = arith.truncf %slice3A_14 : vector<384x768xf32> to vector<384x768xbf16>
    %get3A_16 = arith.constant 0 : index
    %get3A_17 = arith.constant 0 : index
    %get3A_18 = arith.constant 0 : index
    %get3A_19 = arith.constant 0 : index
    %get3A_20 = vector.load %arg5[%get3A_16, %get3A_17, %get3A_18, %get3A_19] : memref<1x1x384x3072xf32, #tpu.memory_space<vmem>>, vector<1x1x384x3072xf32>
    %get3A_21 = vector.shape_cast %get3A_20 : vector<1x1x384x3072xf32> to vector<384x3072xf32>
    %slice3A_22 = vector.extract_strided_slice %get3A_21 {offsets = [0, 0], sizes = [384, 768], strides = [1, 1]} : vector<384x3072xf32> to vector<384x768xf32>
    %convert_element_type3A_23 = arith.truncf %slice3A_22 : vector<384x768xf32> to vector<384x768xbf16>
    %dot_general3A = arith.constant dense<0.000000e+00> : vector<160x768xf32>
    %dot_general3A_24 = tpu.matmul %slice3A, %convert_element_type3A_15, %dot_general3A {dimension_numbers = #tpu.dot_dimension_numbers<[1], [0], [0], [1], [0, 0, 1, 1], [], []>, transpose_lhs_hint = false} : vector<160x384xbf16>, vector<384x768xbf16>, vector<160x768xf32> -> vector<160x768xf32>
    %dot_general3A_25 = arith.constant dense<0.000000e+00> : vector<160x768xf32>
    %dot_general3A_26 = tpu.matmul %slice3A_7, %convert_element_type3A_23, %dot_general3A_25 {dimension_numbers = #tpu.dot_dimension_numbers<[1], [0], [0], [1], [0, 0, 1, 1], [], []>, transpose_lhs_hint = false} : vector<160x384xbf16>, vector<384x768xbf16>, vector<160x768xf32> -> vector<160x768xf32>
    %add3A = arith.addf %dot_general3A_24, %dot_general3A_26 : vector<160x768xf32>
    %get3A_27 = arith.constant 0 : index
    %get3A_28 = arith.constant 0 : index
    %get3A_29 = arith.constant 0 : index
    %get3A_30 = vector.load %arg10[%get3A_27, %get3A_28, %get3A_29] : memref<1x1x3072xf32, #tpu.memory_space<vmem>>, vector<1x1x3072xf32>
    %get3A_31 = vector.shape_cast %get3A_30 : vector<1x1x3072xf32> to vector<1x3072xf32>
    %slice3A_32 = vector.extract_strided_slice %get3A_31 {offsets = [0, 0], sizes = [1, 768], strides = [1, 1]} : vector<1x3072xf32> to vector<1x768xf32>
    %add3A_33 = vector.broadcast %slice3A_32 : vector<1x768xf32> to vector<160x768xf32>
    %add3A_34 = arith.addf %add3A, %add3A_33 : vector<160x768xf32>
    %max3A = arith.constant 0.000000e+00 : f32
    %max3A_35 = vector.broadcast %max3A : f32 to vector<160x768xf32>
    %max3A_36 = arith.maximumf %add3A_34, %max3A_35 : vector<160x768xf32>
    %convert_element_type3A_37 = arith.truncf %max3A_36 : vector<160x768xf32> to vector<160x768xbf16>
    %swap3A = arith.constant 0 : index
    %swap3A_38 = arith.constant 0 : index
    %swap3A_39 = arith.constant 0 : index
    %swap3A_40 = vector.load %arg14[%swap3A, %swap3A_38, %swap3A_39] : memref<4x160x768xbf16, #tpu.memory_space<vmem>>, vector<1x160x768xbf16>
    %swap3A_41 = vector.shape_cast %swap3A_40 : vector<1x160x768xbf16> to vector<160x768xbf16>
    %swap3A_42 = vector.shape_cast %convert_element_type3A_37 : vector<160x768xbf16> to vector<1x160x768xbf16>
    tpu.vector_store %arg14[%swap3A, %swap3A_38, %swap3A_39], %swap3A_42 {strides = array<i32>} : memref<4x160x768xbf16, #tpu.memory_space<vmem>>, vector<1x160x768xbf16>,
    %get3A_43 = arith.constant 0 : index
    %get3A_44 = arith.constant 0 : index
    %get3A_45 = arith.constant 0 : index
    %get3A_46 = arith.constant 0 : index
    %get3A_47 = vector.load %arg4[%get3A_43, %get3A_44, %get3A_45, %get3A_46] : memref<1x1x384x3072xf32, #tpu.memory_space<vmem>>, vector<1x1x384x3072xf32>
    %get3A_48 = vector.shape_cast %get3A_47 : vector<1x1x384x3072xf32> to vector<384x3072xf32>
    %slice3A_49 = vector.extract_strided_slice %get3A_48 {offsets = [0, 768], sizes = [384, 768], strides = [1, 1]} : vector<384x3072xf32> to vector<384x768xf32>
    %convert_element_type3A_50 = arith.truncf %slice3A_49 : vector<384x768xf32> to vector<384x768xbf16>
    %get3A_51 = arith.constant 0 : index
    %get3A_52 = arith.constant 0 : index
    %get3A_53 = arith.constant 0 : index
    %get3A_54 = arith.constant 0 : index
    %get3A_55 = vector.load %arg5[%get3A_51, %get3A_52, %get3A_53, %get3A_54] : memref<1x1x384x3072xf32, #tpu.memory_space<vmem>>, vector<1x1x384x3072xf32>
    %get3A_56 = vector.shape_cast %get3A_55 : vector<1x1x384x3072xf32> to vector<384x3072xf32>
    %slice3A_57 = vector.extract_strided_slice %get3A_56 {offsets = [0, 768], sizes = [384, 768], strides = [1, 1]} : vector<384x3072xf32> to vector<384x768xf32>
    %convert_element_type3A_58 = arith.truncf %slice3A_57 : vector<384x768xf32> to vector<384x768xbf16>
    %dot_general3A_59 = arith.constant dense<0.000000e+00> : vector<160x768xf32>
    %dot_general3A_60 = tpu.matmul %slice3A, %convert_element_type3A_50, %dot_general3A_59 {dimension_numbers = #tpu.dot_dimension_numbers<[1], [0], [0], [1], [0, 0, 1, 1], [], []>, transpose_lhs_hint = false} : vector<160x384xbf16>, vector<384x768xbf16>, vector<160x768xf32> -> vector<160x768xf32>
    %dot_general3A_61 = arith.constant dense<0.000000e+00> : vector<160x768xf32>
    %dot_general3A_62 = tpu.matmul %slice3A_7, %convert_element_type3A_58, %dot_general3A_61 {dimension_numbers = #tpu.dot_dimension_numbers<[1], [0], [0], [1], [0, 0, 1, 1], [], []>, transpose_lhs_hint = false} : vector<160x384xbf16>, vector<384x768xbf16>, vector<160x768xf32> -> vector<160x768xf32>
    %add3A_63 = arith.addf %dot_general3A_60, %dot_general3A_62 : vector<160x768xf32>
    %get3A_64 = arith.constant 0 : index
    %get3A_65 = arith.constant 0 : index
    %get3A_66 = arith.constant 0 : index
    %get3A_67 = vector.load %arg10[%get3A_64, %get3A_65, %get3A_66] : memref<1x1x3072xf32, #tpu.memory_space<vmem>>, vector<1x1x3072xf32>
    %get3A_68 = vector.shape_cast %get3A_67 : vector<1x1x3072xf32> to vector<1x3072xf32>
    %slice3A_69 = vector.extract_strided_slice %get3A_68 {offsets = [0, 768], sizes = [1, 768], strides = [1, 1]} : vector<1x3072xf32> to vector<1x768xf32>
    %add3A_70 = vector.broadcast %slice3A_69 : vector<1x768xf32> to vector<160x768xf32>
    %add3A_71 = arith.addf %add3A_63, %add3A_70 : vector<160x768xf32>
    %max3A_72 = arith.constant 0.000000e+00 : f32
    %max3A_73 = vector.broadcast %max3A_72 : f32 to vector<160x768xf32>
    %max3A_74 = arith.maximumf %add3A_71, %max3A_73 : vector<160x768xf32>
    %convert_element_type3A_75 = arith.truncf %max3A_74 : vector<160x768xf32> to vector<160x768xbf16>
    %swap3A_76 = arith.constant 1 : index
    %swap3A_77 = arith.constant 0 : index
    %swap3A_78 = arith.constant 0 : index
    %swap3A_79 = vector.load %arg14[%swap3A_76, %swap3A_77, %swap3A_78] : memref<4x160x768xbf16, #tpu.memory_space<vmem>>, vector<1x160x768xbf16>
    %swap3A_80 = vector.shape_cast %swap3A_79 : vector<1x160x768xbf16> to vector<160x768xbf16>
    %swap3A_81 = vector.shape_cast %convert_element_type3A_75 : vector<160x768xbf16> to vector<1x160x768xbf16>
    tpu.vector_store %arg14[%swap3A_76, %swap3A_77, %swap3A_78], %swap3A_81 {strides = array<i32>} : memref<4x160x768xbf16, #tpu.memory_space<vmem>>, vector<1x160x768xbf16>,
    %get3A_82 = arith.constant 0 : index
    %get3A_83 = arith.constant 0 : index
    %get3A_84 = arith.constant 0 : index
    %get3A_85 = arith.constant 0 : index
    %get3A_86 = vector.load %arg4[%get3A_82, %get3A_83, %get3A_84, %get3A_85] : memref<1x1x384x3072xf32, #tpu.memory_space<vmem>>, vector<1x1x384x3072xf32>
    %get3A_87 = vector.shape_cast %get3A_86 : vector<1x1x384x3072xf32> to vector<384x3072xf32>
    %slice3A_88 = vector.extract_strided_slice %get3A_87 {offsets = [0, 1536], sizes = [384, 768], strides = [1, 1]} : vector<384x3072xf32> to vector<384x768xf32>
    %convert_element_type3A_89 = arith.truncf %slice3A_88 : vector<384x768xf32> to vector<384x768xbf16>
    %get3A_90 = arith.constant 0 : index
    %get3A_91 = arith.constant 0 : index
    %get3A_92 = arith.constant 0 : index
    %get3A_93 = arith.constant 0 : index
    %get3A_94 = vector.load %arg5[%get3A_90, %get3A_91, %get3A_92, %get3A_93] : memref<1x1x384x3072xf32, #tpu.memory_space<vmem>>, vector<1x1x384x3072xf32>
    %get3A_95 = vector.shape_cast %get3A_94 : vector<1x1x384x3072xf32> to vector<384x3072xf32>
    %slice3A_96 = vector.extract_strided_slice %get3A_95 {offsets = [0, 1536], sizes = [384, 768], strides = [1, 1]} : vector<384x3072xf32> to vector<384x768xf32>
    %convert_element_type3A_97 = arith.truncf %slice3A_96 : vector<384x768xf32> to vector<384x768xbf16>
    %dot_general3A_98 = arith.constant dense<0.000000e+00> : vector<160x768xf32>
    %dot_general3A_99 = tpu.matmul %slice3A, %convert_element_type3A_89, %dot_general3A_98 {dimension_numbers = #tpu.dot_dimension_numbers<[1], [0], [0], [1], [0, 0, 1, 1], [], []>, transpose_lhs_hint = false} : vector<160x384xbf16>, vector<384x768xbf16>, vector<160x768xf32> -> vector<160x768xf32>
    %dot_general3A_100 = arith.constant dense<0.000000e+00> : vector<160x768xf32>
    %dot_general3A_101 = tpu.matmul %slice3A_7, %convert_element_type3A_97, %dot_general3A_100 {dimension_numbers = #tpu.dot_dimension_numbers<[1], [0], [0], [1], [0, 0, 1, 1], [], []>, transpose_lhs_hint = false} : vector<160x384xbf16>, vector<384x768xbf16>, vector<160x768xf32> -> vector<160x768xf32>
    %add3A_102 = arith.addf %dot_general3A_99, %dot_general3A_101 : vector<160x768xf32>
    %get3A_103 = arith.constant 0 : index
    %get3A_104 = arith.constant 0 : index
    %get3A_105 = arith.constant 0 : index
    %get3A_106 = vector.load %arg10[%get3A_103, %get3A_104, %get3A_105] : memref<1x1x3072xf32, #tpu.memory_space<vmem>>, vector<1x1x3072xf32>
    %get3A_107 = vector.shape_cast %get3A_106 : vector<1x1x3072xf32> to vector<1x3072xf32>
    %slice3A_108 = vector.extract_strided_slice %get3A_107 {offsets = [0, 1536], sizes = [1, 768], strides = [1, 1]} : vector<1x3072xf32> to vector<1x768xf32>
    %add3A_109 = vector.broadcast %slice3A_108 : vector<1x768xf32> to vector<160x768xf32>
    %add3A_110 = arith.addf %add3A_102, %add3A_109 : vector<160x768xf32>
    %max3A_111 = arith.constant 0.000000e+00 : f32
    %max3A_112 = vector.broadcast %max3A_111 : f32 to vector<160x768xf32>
    %max3A_113 = arith.maximumf %add3A_110, %max3A_112 : vector<160x768xf32>
    %convert_element_type3A_114 = arith.truncf %max3A_113 : vector<160x768xf32> to vector<160x768xbf16>
    %swap3A_115 = arith.constant 2 : index
    %swap3A_116 = arith.constant 0 : index
    %swap3A_117 = arith.constant 0 : index
    %swap3A_118 = vector.load %arg14[%swap3A_115, %swap3A_116, %swap3A_117] : memref<4x160x768xbf16, #tpu.memory_space<vmem>>, vector<1x160x768xbf16>
    %swap3A_119 = vector.shape_cast %swap3A_118 : vector<1x160x768xbf16> to vector<160x768xbf16>
    %swap3A_120 = vector.shape_cast %convert_element_type3A_114 : vector<160x768xbf16> to vector<1x160x768xbf16>
    tpu.vector_store %arg14[%swap3A_115, %swap3A_116, %swap3A_117], %swap3A_120 {strides = array<i32>} : memref<4x160x768xbf16, #tpu.memory_space<vmem>>, vector<1x160x768xbf16>,
    %get3A_121 = arith.constant 0 : index
    %get3A_122 = arith.constant 0 : index
    %get3A_123 = arith.constant 0 : index
    %get3A_124 = arith.constant 0 : index
    %get3A_125 = vector.load %arg4[%get3A_121, %get3A_122, %get3A_123, %get3A_124] : memref<1x1x384x3072xf32, #tpu.memory_space<vmem>>, vector<1x1x384x3072xf32>
    %get3A_126 = vector.shape_cast %get3A_125 : vector<1x1x384x3072xf32> to vector<384x3072xf32>
    %slice3A_127 = vector.extract_strided_slice %get3A_126 {offsets = [0, 2304], sizes = [384, 768], strides = [1, 1]} : vector<384x3072xf32> to vector<384x768xf32>
    %convert_element_type3A_128 = arith.truncf %slice3A_127 : vector<384x768xf32> to vector<384x768xbf16>
    %get3A_129 = arith.constant 0 : index
    %get3A_130 = arith.constant 0 : index
    %get3A_131 = arith.constant 0 : index
    %get3A_132 = arith.constant 0 : index
    %get3A_133 = vector.load %arg5[%get3A_129, %get3A_130, %get3A_131, %get3A_132] : memref<1x1x384x3072xf32, #tpu.memory_space<vmem>>, vector<1x1x384x3072xf32>
    %get3A_134 = vector.shape_cast %get3A_133 : vector<1x1x384x3072xf32> to vector<384x3072xf32>
    %slice3A_135 = vector.extract_strided_slice %get3A_134 {offsets = [0, 2304], sizes = [384, 768], strides = [1, 1]} : vector<384x3072xf32> to vector<384x768xf32>
    %convert_element_type3A_136 = arith.truncf %slice3A_135 : vector<384x768xf32> to vector<384x768xbf16>
    %dot_general3A_137 = arith.constant dense<0.000000e+00> : vector<160x768xf32>
    %dot_general3A_138 = tpu.matmul %slice3A, %convert_element_type3A_128, %dot_general3A_137 {dimension_numbers = #tpu.dot_dimension_numbers<[1], [0], [0], [1], [0, 0, 1, 1], [], []>, transpose_lhs_hint = false} : vector<160x384xbf16>, vector<384x768xbf16>, vector<160x768xf32> -> vector<160x768xf32>
    %dot_general3A_139 = arith.constant dense<0.000000e+00> : vector<160x768xf32>
    %dot_general3A_140 = tpu.matmul %slice3A_7, %convert_element_type3A_136, %dot_general3A_139 {dimension_numbers = #tpu.dot_dimension_numbers<[1], [0], [0], [1], [0, 0, 1, 1], [], []>, transpose_lhs_hint = false} : vector<160x384xbf16>, vector<384x768xbf16>, vector<160x768xf32> -> vector<160x768xf32>
    %add3A_141 = arith.addf %dot_general3A_138, %dot_general3A_140 : vector<160x768xf32>
    %get3A_142 = arith.constant 0 : index
    %get3A_143 = arith.constant 0 : index
    %get3A_144 = arith.constant 0 : index
    %get3A_145 = vector.load %arg10[%get3A_142, %get3A_143, %get3A_144] : memref<1x1x3072xf32, #tpu.memory_space<vmem>>, vector<1x1x3072xf32>
    %get3A_146 = vector.shape_cast %get3A_145 : vector<1x1x3072xf32> to vector<1x3072xf32>
    %slice3A_147 = vector.extract_strided_slice %get3A_146 {offsets = [0, 2304], sizes = [1, 768], strides = [1, 1]} : vector<1x3072xf32> to vector<1x768xf32>
    %add3A_148 = vector.broadcast %slice3A_147 : vector<1x768xf32> to vector<160x768xf32>
    %add3A_149 = arith.addf %add3A_141, %add3A_148 : vector<160x768xf32>
    %max3A_150 = arith.constant 0.000000e+00 : f32
    %max3A_151 = vector.broadcast %max3A_150 : f32 to vector<160x768xf32>
    %max3A_152 = arith.maximumf %add3A_149, %max3A_151 : vector<160x768xf32>
    %convert_element_type3A_153 = arith.truncf %max3A_152 : vector<160x768xf32> to vector<160x768xbf16>
    %swap3A_154 = arith.constant 3 : index
    %swap3A_155 = arith.constant 0 : index
    %swap3A_156 = arith.constant 0 : index
    %swap3A_157 = vector.load %arg14[%swap3A_154, %swap3A_155, %swap3A_156] : memref<4x160x768xbf16, #tpu.memory_space<vmem>>, vector<1x160x768xbf16>
    %swap3A_158 = vector.shape_cast %swap3A_157 : vector<1x160x768xbf16> to vector<160x768xbf16>
    %swap3A_159 = vector.shape_cast %convert_element_type3A_153 : vector<160x768xbf16> to vector<1x160x768xbf16>
    tpu.vector_store %arg14[%swap3A_154, %swap3A_155, %swap3A_156], %swap3A_159 {strides = array<i32>} : memref<4x160x768xbf16, #tpu.memory_space<vmem>>, vector<1x160x768xbf16>,
    %get3A_160 = arith.constant 0 : index
    %get3A_161 = arith.constant 0 : index
    %get3A_162 = arith.constant 0 : index
    %get3A_163 = arith.constant 0 : index
    %get3A_164 = vector.load %arg6[%get3A_160, %get3A_161, %get3A_162, %get3A_163] : memref<1x1x768x768xf32, #tpu.memory_space<vmem>>, vector<1x1x768x768xf32>
    %get3A_165 = vector.shape_cast %get3A_164 : vector<1x1x768x768xf32> to vector<768x768xf32>
    %convert_element_type3A_166 = arith.truncf %get3A_165 : vector<768x768xf32> to vector<768x768xbf16>
    %get3A_167 = arith.constant 0 : index
    %get3A_168 = arith.constant 0 : index
    %get3A_169 = arith.constant 0 : index
    %get3A_170 = vector.load %arg14[%get3A_167, %get3A_168, %get3A_169] : memref<4x160x768xbf16, #tpu.memory_space<vmem>>, vector<1x160x768xbf16>
    %get3A_171 = vector.shape_cast %get3A_170 : vector<1x160x768xbf16> to vector<160x768xbf16>
    %dot_general3A_172 = arith.constant dense<0.000000e+00> : vector<160x768xf32>
    %dot_general3A_173 = tpu.matmul %get3A_171, %convert_element_type3A_166, %dot_general3A_172 {dimension_numbers = #tpu.dot_dimension_numbers<[1], [0], [0], [1], [0, 0, 1, 1], [], []>, transpose_lhs_hint = false} : vector<160x768xbf16>, vector<768x768xbf16>, vector<160x768xf32> -> vector<160x768xf32>
    %swap3A_174 = arith.constant 0 : index
    %swap3A_175 = arith.constant 0 : index
    %swap3A_176 = vector.load %arg15[%swap3A_174, %swap3A_175] : memref<160x768xf32, #tpu.memory_space<vmem>>, vector<160x768xf32>
    tpu.vector_store %arg15[%swap3A_174, %swap3A_175], %dot_general3A_173 {strides = array<i32>} : memref<160x768xf32, #tpu.memory_space<vmem>>, vector<160x768xf32>,
    %get3A_177 = arith.constant 0 : index
    %get3A_178 = arith.constant 0 : index
    %get3A_179 = arith.constant 0 : index
    %get3A_180 = arith.constant 0 : index
    %get3A_181 = vector.load %arg7[%get3A_177, %get3A_178, %get3A_179, %get3A_180] : memref<1x1x768x768xf32, #tpu.memory_space<vmem>>, vector<1x1x768x768xf32>
    %get3A_182 = vector.shape_cast %get3A_181 : vector<1x1x768x768xf32> to vector<768x768xf32>
    %convert_element_type3A_183 = arith.truncf %get3A_182 : vector<768x768xf32> to vector<768x768xbf16>
    %get3A_184 = arith.constant 1 : index
    %get3A_185 = arith.constant 0 : index
    %get3A_186 = arith.constant 0 : index
    %get3A_187 = vector.load %arg14[%get3A_184, %get3A_185, %get3A_186] : memref<4x160x768xbf16, #tpu.memory_space<vmem>>, vector<1x160x768xbf16>
    %get3A_188 = vector.shape_cast %get3A_187 : vector<1x160x768xbf16> to vector<160x768xbf16>
    %dot_general3A_189 = arith.constant dense<0.000000e+00> : vector<160x768xf32>
    %dot_general3A_190 = tpu.matmul %get3A_188, %convert_element_type3A_183, %dot_general3A_189 {dimension_numbers = #tpu.dot_dimension_numbers<[1], [0], [0], [1], [0, 0, 1, 1], [], []>, transpose_lhs_hint = false} : vector<160x768xbf16>, vector<768x768xbf16>, vector<160x768xf32> -> vector<160x768xf32>
    %get3A_191 = arith.constant 0 : index
    %get3A_192 = arith.constant 0 : index
    %get3A_193 = vector.load %arg15[%get3A_191, %get3A_192] : memref<160x768xf32, #tpu.memory_space<vmem>>, vector<160x768xf32>
    %add3A_194 = arith.addf %get3A_193, %dot_general3A_190 : vector<160x768xf32>
    %swap3A_195 = arith.constant 0 : index
    %swap3A_196 = arith.constant 0 : index
    %swap3A_197 = vector.load %arg15[%swap3A_195, %swap3A_196] : memref<160x768xf32, #tpu.memory_space<vmem>>, vector<160x768xf32>
    tpu.vector_store %arg15[%swap3A_195, %swap3A_196], %add3A_194 {strides = array<i32>} : memref<160x768xf32, #tpu.memory_space<vmem>>, vector<160x768xf32>,
    %get3A_198 = arith.constant 0 : index
    %get3A_199 = arith.constant 0 : index
    %get3A_200 = arith.constant 0 : index
    %get3A_201 = arith.constant 0 : index
    %get3A_202 = vector.load %arg8[%get3A_198, %get3A_199, %get3A_200, %get3A_201] : memref<1x1x768x768xf32, #tpu.memory_space<vmem>>, vector<1x1x768x768xf32>
    %get3A_203 = vector.shape_cast %get3A_202 : vector<1x1x768x768xf32> to vector<768x768xf32>
    %convert_element_type3A_204 = arith.truncf %get3A_203 : vector<768x768xf32> to vector<768x768xbf16>
    %get3A_205 = arith.constant 2 : index
    %get3A_206 = arith.constant 0 : index
    %get3A_207 = arith.constant 0 : index
    %get3A_208 = vector.load %arg14[%get3A_205, %get3A_206, %get3A_207] : memref<4x160x768xbf16, #tpu.memory_space<vmem>>, vector<1x160x768xbf16>
    %get3A_209 = vector.shape_cast %get3A_208 : vector<1x160x768xbf16> to vector<160x768xbf16>
    %dot_general3A_210 = arith.constant dense<0.000000e+00> : vector<160x768xf32>
    %dot_general3A_211 = tpu.matmul %get3A_209, %convert_element_type3A_204, %dot_general3A_210 {dimension_numbers = #tpu.dot_dimension_numbers<[1], [0], [0], [1], [0, 0, 1, 1], [], []>, transpose_lhs_hint = false} : vector<160x768xbf16>, vector<768x768xbf16>, vector<160x768xf32> -> vector<160x768xf32>
    %get3A_212 = arith.constant 0 : index
    %get3A_213 = arith.constant 0 : index
    %get3A_214 = vector.load %arg15[%get3A_212, %get3A_213] : memref<160x768xf32, #tpu.memory_space<vmem>>, vector<160x768xf32>
    %add3A_215 = arith.addf %get3A_214, %dot_general3A_211 : vector<160x768xf32>
    %swap3A_216 = arith.constant 0 : index
    %swap3A_217 = arith.constant 0 : index
    %swap3A_218 = vector.load %arg15[%swap3A_216, %swap3A_217] : memref<160x768xf32, #tpu.memory_space<vmem>>, vector<160x768xf32>
    tpu.vector_store %arg15[%swap3A_216, %swap3A_217], %add3A_215 {strides = array<i32>} : memref<160x768xf32, #tpu.memory_space<vmem>>, vector<160x768xf32>,
    %get3A_219 = arith.constant 0 : index
    %get3A_220 = arith.constant 0 : index
    %get3A_221 = arith.constant 0 : index
    %get3A_222 = arith.constant 0 : index
    %get3A_223 = vector.load %arg9[%get3A_219, %get3A_220, %get3A_221, %get3A_222] : memref<1x1x768x768xf32, #tpu.memory_space<vmem>>, vector<1x1x768x768xf32>
    %get3A_224 = vector.shape_cast %get3A_223 : vector<1x1x768x768xf32> to vector<768x768xf32>
    %convert_element_type3A_225 = arith.truncf %get3A_224 : vector<768x768xf32> to vector<768x768xbf16>
    %get3A_226 = arith.constant 3 : index
    %get3A_227 = arith.constant 0 : index
    %get3A_228 = arith.constant 0 : index
    %get3A_229 = vector.load %arg14[%get3A_226, %get3A_227, %get3A_228] : memref<4x160x768xbf16, #tpu.memory_space<vmem>>, vector<1x160x768xbf16>
    %get3A_230 = vector.shape_cast %get3A_229 : vector<1x160x768xbf16> to vector<160x768xbf16>
    %dot_general3A_231 = arith.constant dense<0.000000e+00> : vector<160x768xf32>
    %dot_general3A_232 = tpu.matmul %get3A_230, %convert_element_type3A_225, %dot_general3A_231 {dimension_numbers = #tpu.dot_dimension_numbers<[1], [0], [0], [1], [0, 0, 1, 1], [], []>, transpose_lhs_hint = false} : vector<160x768xbf16>, vector<768x768xbf16>, vector<160x768xf32> -> vector<160x768xf32>
    %get3A_233 = arith.constant 0 : index
    %get3A_234 = arith.constant 0 : index
    %get3A_235 = vector.load %arg15[%get3A_233, %get3A_234] : memref<160x768xf32, #tpu.memory_space<vmem>>, vector<160x768xf32>
    %add3A_236 = arith.addf %get3A_235, %dot_general3A_232 : vector<160x768xf32>
    %swap3A_237 = arith.constant 0 : index
    %swap3A_238 = arith.constant 0 : index
    %swap3A_239 = vector.load %arg15[%swap3A_237, %swap3A_238] : memref<160x768xf32, #tpu.memory_space<vmem>>, vector<160x768xf32>
    tpu.vector_store %arg15[%swap3A_237, %swap3A_238], %add3A_236 {strides = array<i32>} : memref<160x768xf32, #tpu.memory_space<vmem>>, vector<160x768xf32>,
    %get3A_240 = arith.index_cast %arg0 : i32 to index
    %get3A_241 = memref.load %arg1[%get3A_240] : memref<64xi32, #tpu.memory_space<smem>>
    %min3A = arith.constant 160 : i32
    %min3A_242 = arith.minsi %get3A_241, %min3A : i32
    %iota3A = tpu.iota {dimensions = array<i32: 0>} : vector<160x1xi32>
    %lt3A = vector.broadcast %min3A_242 : i32 to vector<160x1xi32>
    %lt3A_243 = arith.cmpi slt, %iota3A, %lt3A : vector<160x1xi32>
    %get3A_244 = arith.constant 0 : index
    %get3A_245 = arith.constant 0 : index
    %get3A_246 = arith.constant 0 : index
    %get3A_247 = vector.load %arg12[%get3A_244, %get3A_245, %get3A_246] : memref<1x160x1xf32, #tpu.memory_space<vmem>>, vector<1x160x1xf32>
    %get3A_248 = vector.shape_cast %get3A_247 : vector<1x160x1xf32> to vector<160x1xf32>
    %jit3A = arith.constant 0.000000e+00 : f32
    %broadcast_in_dim3A = vector.broadcast %jit3A : f32 to vector<160x1xf32>
    %select_n3A = arith.select %lt3A_243, %get3A_248, %broadcast_in_dim3A : vector<160x1xi1>, vector<160x1xf32>
    %get3A_249 = arith.constant 0 : index
    %get3A_250 = arith.constant 0 : index
    %get3A_251 = vector.load %arg15[%get3A_249, %get3A_250] : memref<160x768xf32, #tpu.memory_space<vmem>>, vector<160x768xf32>
    %get3A_252 = arith.constant 0 : index
    %get3A_253 = arith.constant 0 : index
    %get3A_254 = arith.constant 0 : index
    %get3A_255 = vector.load %arg11[%get3A_252, %get3A_253, %get3A_254] : memref<1x1x768xf32, #tpu.memory_space<vmem>>, vector<1x1x768xf32>
    %get3A_256 = vector.shape_cast %get3A_255 : vector<1x1x768xf32> to vector<1x768xf32>
    %add3A_257 = vector.broadcast %get3A_256 : vector<1x768xf32> to vector<160x768xf32>
    %add3A_258 = arith.addf %get3A_251, %add3A_257 : vector<160x768xf32>
    %mul3A = vector.broadcast %select_n3A : vector<160x1xf32> to vector<160x768xf32>
    %mul3A_259 = arith.mulf %add3A_258, %mul3A : vector<160x768xf32>
    %swap3A_260 = arith.constant 0 : index
    %swap3A_261 = arith.constant 0 : index
    %swap3A_262 = vector.load %arg15[%swap3A_260, %swap3A_261] : memref<160x768xf32, #tpu.memory_space<vmem>>, vector<160x768xf32>
    tpu.vector_store %arg15[%swap3A_260, %swap3A_261], %mul3A_259 {strides = array<i32>} : memref<160x768xf32, #tpu.memory_space<vmem>>, vector<160x768xf32>,
    %scan3A = arith.constant 0 : i32
    %scan3A_263 = arith.constant 160 : i32
    %scan3A_264 = arith.addi %scan3A, %scan3A_263 : i32
    %scan3A_265 = arith.constant 4 : i32
    scf.for %scan3A_267 = %scan3A to %scan3A_264 step %scan3A_265  : i32 {
      %mul3A_268 = arith.constant 160 : i32
      %mul3A_269 = arith.muli %arg0, %mul3A_268 : i32
      %add3A_270 = arith.addi %mul3A_269, %scan3A_267 : i32
      %get3A_271 = arith.index_cast %add3A_270 : i32 to index
      %get3A_272 = memref.load %arg2[%get3A_271] : memref<10240xi32, #tpu.memory_space<smem>>
      %get3A_273 = arith.index_cast %scan3A_267 : i32 to index
      %get3A_274 = arith.constant 0 : index
      %get3A_275 = vector.load %arg15[%get3A_273, %get3A_274] : memref<160x768xf32, #tpu.memory_space<vmem>>, vector<1x768xf32>
      %get3A_276 = arith.index_cast %get3A_272 : i32 to index
      %get3A_277 = arith.constant 0 : index
      %get3A_278 = vector.load %arg13[%get3A_276, %get3A_277] : memref<8192x768xf32, #tpu.memory_space<vmem>>, vector<1x768xf32>
      %add3A_279 = arith.addf %get3A_278, %get3A_275 : vector<1x768xf32>
      %swap3A_280 = arith.index_cast %get3A_272 : i32 to index
      %swap3A_281 = arith.constant 0 : index
      %swap3A_282 = vector.load %arg13[%swap3A_280, %swap3A_281] : memref<8192x768xf32, #tpu.memory_space<vmem>>, vector<1x768xf32>
      tpu.vector_store %arg13[%swap3A_280, %swap3A_281], %add3A_279 {strides = array<i32>} : memref<8192x768xf32, #tpu.memory_space<vmem>>, vector<1x768xf32>,
      %scan3A_283 = arith.constant 1 : i32
      %scan3A_284 = arith.addi %scan3A_267, %scan3A_283 : i32
      %mul3A_285 = arith.constant 160 : i32
      %mul3A_286 = arith.muli %arg0, %mul3A_285 : i32
      %add3A_287 = arith.addi %mul3A_286, %scan3A_284 : i32
      %get3A_288 = arith.index_cast %add3A_287 : i32 to index
      %get3A_289 = memref.load %arg2[%get3A_288] : memref<10240xi32, #tpu.memory_space<smem>>
      %get3A_290 = arith.index_cast %scan3A_284 : i32 to index
      %get3A_291 = arith.constant 0 : index
      %get3A_292 = vector.load %arg15[%get3A_290, %get3A_291] : memref<160x768xf32, #tpu.memory_space<vmem>>, vector<1x768xf32>
      %get3A_293 = arith.index_cast %get3A_289 : i32 to index
      %get3A_294 = arith.constant 0 : index
      %get3A_295 = vector.load %arg13[%get3A_293, %get3A_294] : memref<8192x768xf32, #tpu.memory_space<vmem>>, vector<1x768xf32>
      %add3A_296 = arith.addf %get3A_295, %get3A_292 : vector<1x768xf32>
      %swap3A_297 = arith.index_cast %get3A_289 : i32 to index
      %swap3A_298 = arith.constant 0 : index
      %swap3A_299 = vector.load %arg13[%swap3A_297, %swap3A_298] : memref<8192x768xf32, #tpu.memory_space<vmem>>, vector<1x768xf32>
      tpu.vector_store %arg13[%swap3A_297, %swap3A_298], %add3A_296 {strides = array<i32>} : memref<8192x768xf32, #tpu.memory_space<vmem>>, vector<1x768xf32>,
      %scan3A_300 = arith.constant 2 : i32
      %scan3A_301 = arith.addi %scan3A_267, %scan3A_300 : i32
      %mul3A_302 = arith.constant 160 : i32
      %mul3A_303 = arith.muli %arg0, %mul3A_302 : i32
      %add3A_304 = arith.addi %mul3A_303, %scan3A_301 : i32
      %get3A_305 = arith.index_cast %add3A_304 : i32 to index
      %get3A_306 = memref.load %arg2[%get3A_305] : memref<10240xi32, #tpu.memory_space<smem>>
      %get3A_307 = arith.index_cast %scan3A_301 : i32 to index
      %get3A_308 = arith.constant 0 : index
      %get3A_309 = vector.load %arg15[%get3A_307, %get3A_308] : memref<160x768xf32, #tpu.memory_space<vmem>>, vector<1x768xf32>
      %get3A_310 = arith.index_cast %get3A_306 : i32 to index
      %get3A_311 = arith.constant 0 : index
      %get3A_312 = vector.load %arg13[%get3A_310, %get3A_311] : memref<8192x768xf32, #tpu.memory_space<vmem>>, vector<1x768xf32>
      %add3A_313 = arith.addf %get3A_312, %get3A_309 : vector<1x768xf32>
      %swap3A_314 = arith.index_cast %get3A_306 : i32 to index
      %swap3A_315 = arith.constant 0 : index
      %swap3A_316 = vector.load %arg13[%swap3A_314, %swap3A_315] : memref<8192x768xf32, #tpu.memory_space<vmem>>, vector<1x768xf32>
      tpu.vector_store %arg13[%swap3A_314, %swap3A_315], %add3A_313 {strides = array<i32>} : memref<8192x768xf32, #tpu.memory_space<vmem>>, vector<1x768xf32>,
      %scan3A_317 = arith.constant 3 : i32
      %scan3A_318 = arith.addi %scan3A_267, %scan3A_317 : i32
      %mul3A_319 = arith.constant 160 : i32
      %mul3A_320 = arith.muli %arg0, %mul3A_319 : i32
      %add3A_321 = arith.addi %mul3A_320, %scan3A_318 : i32
      %get3A_322 = arith.index_cast %add3A_321 : i32 to index
      %get3A_323 = memref.load %arg2[%get3A_322] : memref<10240xi32, #tpu.memory_space<smem>>
      %get3A_324 = arith.index_cast %scan3A_318 : i32 to index
      %get3A_325 = arith.constant 0 : index
      %get3A_326 = vector.load %arg15[%get3A_324, %get3A_325] : memref<160x768xf32, #tpu.memory_space<vmem>>, vector<1x768xf32>
      %get3A_327 = arith.index_cast %get3A_323 : i32 to index
      %get3A_328 = arith.constant 0 : index
      %get3A_329 = vector.load %arg13[%get3A_327, %get3A_328] : memref<8192x768xf32, #tpu.memory_space<vmem>>, vector<1x768xf32>
      %add3A_330 = arith.addf %get3A_329, %get3A_326 : vector<1x768xf32>
      %swap3A_331 = arith.index_cast %get3A_323 : i32 to index
      %swap3A_332 = arith.constant 0 : index
      %swap3A_333 = vector.load %arg13[%swap3A_331, %swap3A_332] : memref<8192x768xf32, #tpu.memory_space<vmem>>, vector<1x768xf32>
      tpu.vector_store %arg13[%swap3A_331, %swap3A_332], %add3A_330 {strides = array<i32>} : memref<8192x768xf32, #tpu.memory_space<vmem>>, vector<1x768xf32>,
    }
    %scan3A_266 = arith.constant 160 : i32
    return
  }
  func.func @transform_0(%arg0: i32, %arg1: memref<64xi32, #tpu.memory_space<smem>>, %arg2: memref<10240xi32, #tpu.memory_space<smem>>) -> (i32, i32, i32) {
    %c0_i32 = arith.constant 0 : i32
    %c0_i32_0 = arith.constant 0 : i32
    %c0_i32_1 = arith.constant 0 : i32
    return %arg0, %c0_i32, %c0_i32_0 : i32, i32, i32
  }
  func.func @transform_1(%arg0: i32, %arg1: memref<64xi32, #tpu.memory_space<smem>>, %arg2: memref<10240xi32, #tpu.memory_space<smem>>) -> (i32, i32, i32, i32) {
    %c0_i32 = arith.constant 0 : i32
    %c0_i32_0 = arith.constant 0 : i32
    %c0_i32_1 = arith.constant 0 : i32
    %c0_i32_2 = arith.constant 0 : i32
    return %arg0, %c0_i32, %c0_i32_0, %c0_i32_1 : i32, i32, i32, i32
  }
  func.func @transform_2(%arg0: i32, %arg1: memref<64xi32, #tpu.memory_space<smem>>, %arg2: memref<10240xi32, #tpu.memory_space<smem>>) -> (i32, i32, i32, i32) {
    %c1_i32 = arith.constant 1 : i32
    %c0_i32 = arith.constant 0 : i32
    %c0_i32_0 = arith.constant 0 : i32
    %c0_i32_1 = arith.constant 0 : i32
    return %arg0, %c1_i32, %c0_i32, %c0_i32_0 : i32, i32, i32, i32
  }
  func.func @transform_3(%arg0: i32, %arg1: memref<64xi32, #tpu.memory_space<smem>>, %arg2: memref<10240xi32, #tpu.memory_space<smem>>) -> (i32, i32, i32, i32) {
    %c0_i32 = arith.constant 0 : i32
    %c0_i32_0 = arith.constant 0 : i32
    %c0_i32_1 = arith.constant 0 : i32
    %c0_i32_2 = arith.constant 0 : i32
    return %arg0, %c0_i32, %c0_i32_0, %c0_i32_1 : i32, i32, i32, i32
  }
  func.func @transform_4(%arg0: i32, %arg1: memref<64xi32, #tpu.memory_space<smem>>, %arg2: memref<10240xi32, #tpu.memory_space<smem>>) -> (i32, i32, i32, i32) {
    %c1_i32 = arith.constant 1 : i32
    %c0_i32 = arith.constant 0 : i32
    %c0_i32_0 = arith.constant 0 : i32
    %c0_i32_1 = arith.constant 0 : i32
    return %arg0, %c1_i32, %c0_i32, %c0_i32_0 : i32, i32, i32, i32
  }
  func.func @transform_5(%arg0: i32, %arg1: memref<64xi32, #tpu.memory_space<smem>>, %arg2: memref<10240xi32, #tpu.memory_space<smem>>) -> (i32, i32, i32, i32) {
    %c2_i32 = arith.constant 2 : i32
    %c0_i32 = arith.constant 0 : i32
    %c0_i32_0 = arith.constant 0 : i32
    %c0_i32_1 = arith.constant 0 : i32
    return %arg0, %c2_i32, %c0_i32, %c0_i32_0 : i32, i32, i32, i32
  }
  func.func @transform_6(%arg0: i32, %arg1: memref<64xi32, #tpu.memory_space<smem>>, %arg2: memref<10240xi32, #tpu.memory_space<smem>>) -> (i32, i32, i32, i32) {
    %c3_i32 = arith.constant 3 : i32
    %c0_i32 = arith.constant 0 : i32
    %c0_i32_0 = arith.constant 0 : i32
    %c0_i32_1 = arith.constant 0 : i32
    return %arg0, %c3_i32, %c0_i32, %c0_i32_0 : i32, i32, i32, i32
  }
  func.func @transform_7(%arg0: i32, %arg1: memref<64xi32, #tpu.memory_space<smem>>, %arg2: memref<10240xi32, #tpu.memory_space<smem>>) -> (i32, i32, i32) {
    %c0_i32 = arith.constant 0 : i32
    %c0_i32_0 = arith.constant 0 : i32
    %c0_i32_1 = arith.constant 0 : i32
    return %arg0, %c0_i32, %c0_i32_0 : i32, i32, i32
  }
  func.func @transform_8(%arg0: i32, %arg1: memref<64xi32, #tpu.memory_space<smem>>, %arg2: memref<10240xi32, #tpu.memory_space<smem>>) -> (i32, i32, i32) {
    %c0_i32 = arith.constant 0 : i32
    %c0_i32_0 = arith.constant 0 : i32
    %c0_i32_1 = arith.constant 0 : i32
    return %arg0, %c0_i32, %c0_i32_0 : i32, i32, i32
  }
  func.func @transform_9(%arg0: i32, %arg1: memref<64xi32, #tpu.memory_space<smem>>, %arg2: memref<10240xi32, #tpu.memory_space<smem>>) -> (i32, i32, i32) {
    %c0_i32 = arith.constant 0 : i32
    %c0_i32_0 = arith.constant 0 : i32
    %c0_i32_1 = arith.constant 0 : i32
    return %arg0, %c0_i32, %c0_i32_0 : i32, i32, i32
  }
  func.func @transform_10(%arg0: i32, %arg1: memref<64xi32, #tpu.memory_space<smem>>, %arg2: memref<10240xi32, #tpu.memory_space<smem>>) -> (i32, i32) {
    %c0_i32 = arith.constant 0 : i32
    %c0_i32_0 = arith.constant 0 : i32
    %c0_i32_1 = arith.constant 0 : i32
    return %c0_i32, %c0_i32_0 : i32, i32
  }
}

</mosaic_0001>

<sc_bundles>
// kernel: kernel.5.cloned.1.call-start
scs
__scs_entry_jumppad:
0x0: {  	(pc) =	sbr.rel $0x88, $3  }
0x1: {  	(tag) =	ssettag $0x0;
	lr =	simm.s32 $0x1  }
0x2: {  	[smem:$0x3F9A] =	sst lr;
	_ =	strace $0xD0000000  }
0x3: {  	_ = 	snop  }
0x4: {  	_ = 	snop  }
0x5: {  	_ = 	snop  }
0x6: {  	_ = 	snop  }
0x7: {  	_ = 	snop  }
__scs_overlays_trampoline_lowered:
0x8: {  	[smem:$0x3FA9] =	sst s0  }
0x9: {  	[smem:$0x3FAA] =	sst s1  }
0xa: {  	[smem:$0x3FAB] =	sst s2  }
0xb: {  	[smem:$0x3FAC] =	sst s3  }
0xc: {  	[smem:$0x3FAD] =	sst s4  }
0xd: {  	[smem:$0x3FAE] =	sst s5  }
0xe: {  	[smem:$0x3FAF] =	sst s6  }
0xf: {  	[smem:$0x3FB0] =	sst s7  }
0x10: {  	[smem:$0x3FB1] =	sst s8  }
0x11: {  	[smem:$0x3FB2] =	sst s9;
	s0 =	simm.s32 @!p0 $0x0  }
0x12: {  	s1 =	sld [smem:$0x3F98];
	s0 =	simm.s32 @p0 $0x1  }
0x13: {  	[smem:$0x3FB3] =	sst s0;
	s0 =	simm.s32 @!p1 $0x0  }
0x14: {  	s2 =	sld [smem:$0x3F97];
	s0 =	simm.s32 @p1 $0x1  }
0x15: {  	[smem:$0x3FB4] =	sst s0;
	s0 =	simm.s32 @!p2 $0x0  }
0x16: {  	s3 =	sld [smem:$0x3FDB];
	s0 =	simm.s32 @p2 $0x1  }
0x17: {  	s4 =	simm.s32 $0x1BF5;
	[smem:$0x3FB6] =	sst s0  }
0x18: {  	s0 =	sld [smem:$0x3F99];
	_ =	swait.ge [sflag:s4], $0x0  }
0x19: {  	s7 =	sld [smem:$0x3F9A]  }
0x1a: {  	s8 =	sadd.s32 $0xFFFFE003, lr  }
0x1b: {  	s9 =	sadd.s32 $0xFFFFFEF7, lr;
	s5 =	simm.s32 $0xFFFFFFFF;
	p2 =	slt.u32 s8, $0xFFFFF086  }
0x1c: {  	p1 =	slt.u32 s9, $0xF7A;
	s5 =	simm.s32 @!p2 $0x0  }
0x1d: {  	s5 =	simm.s32 @p1 $0x1;
	p0 =	seq.s32 s7, s2  }
0x1e: {  	s7 =	smul.u32 @!p0 $0xF7A, s2;
	p2 =	seq.s32 @!p0 s5, $0x0  }
0x1f: {  	s9 =	smul.u32 $0xF7A, s1;
	s8 =	simm.s32 @!p0 $0x1BF5;
	p2 =	por !p2, p0  }
0x20: {  	[sflag:s8] =	ssyncset.s32 @!p0 $0xFFFFF086;
	s6 =	sadd.s32 @!p0 s3, s7;
	s7 =	simm.s32 @!p0 $0x108  }
0x21: {  	s3 =	sadd.s32 s3, s9;
	s6 =	sadd.s32 @!p0 $0x88, s6;
	s7 =	simm.s32 @p2 $0x1082  }
0x22: {  	[simem:s7], [sflag:s8] =	dma.local @!p0 [hbm:s6], $0xF7A  }
0x23: {  	s9 =	sor.u32 $0xD0000000, s2;
	s6 =	simm.s32 $0x108;
	_ =	swait.ge @!p0 [sflag:s8], $0x0  }
0x24: {  	s3 =	sadd.s32 $0x88, s3;
	s6 =	simm.s32 @!p1 $0x1082;
	[sflag:s4] =	ssyncset.s32 $0xFFFFF086  }
0x25: {  	[simem:s6], [sflag:s4] =	dma.local [hbm:s3], $0xF7A  }
0x26: {  	[smem:$0x3F9A] =	sst s1;
	(tag) =	ssettag s2;
	_ =	strace s9  }
0x27: {  	s1 =	sld [smem:$0x3FAA]  }
0x28: {  	s2 =	sld [smem:$0x3FAB]  }
0x29: {  	s4 =	sld [smem:$0x3FAD]  }
0x2a: {  	p0 =	seq.s32 s5, $0x0;
	s5 =	sld [smem:$0x3FAE]  }
0x2b: {  	s6 =	sld [smem:$0x3FAF]  }
0x2c: {  	s7 =	sld [smem:$0x3FB0]  }
0x2d: {  	s3 =	simm.s32 $0x108;
	s8 =	sld [smem:$0x3FB1]  }
0x2e: {  	s3 =	simm.s32 @!p0 $0x1082;
	s9 =	sld [smem:$0x3FB2]  }
0x2f: {  	lr =	sadd.s32 s0, s3;
	s0 =	sld [smem:$0x3FA9]  }
0x30: {  	s3 =	sld [smem:$0x3FAC]  }
0x31: {  	[smem:$0x3FB5] =	sst s10  }
0x32: {  	s10 =	sld [smem:$0x3FB3];
	_ =	sdelay $0x3  }
0x33: {  	p0 =	seq.s32 s10, $0x1;
	s10 =	sld [smem:$0x3FB5];
	_ =	sdelay $0x3  }
0x34: {  	[smem:$0x3FB5] =	sst s10  }
0x35: {  	s10 =	sld [smem:$0x3FB4];
	_ =	sdelay $0x3  }
0x36: {  	p1 =	seq.s32 s10, $0x1;
	s10 =	sld [smem:$0x3FB5];
	_ =	sdelay $0x3  }
0x37: {  	[smem:$0x3FB5] =	sst s10  }
0x38: {  	s10 =	sld [smem:$0x3FB6]  }
0x39: {  	_ = 	snop;
	(pc) =	sbr.ind lr, $3  }
0x3a: {  	_ = 	snop  }
0x3b: {  	_ = 	snop  }
0x3c: {  	p2 =	seq.s32 s10, $0x1;
	s10 =	sld [smem:$0x3FB5]  }
0x3d: {  	_ =	shalt  }
0x3e: {  	_ =	shalt  }
0x3f: {  	_ =	shalt  }
0x40: {  	_ =	shalt  }
0x41: {  	_ =	shalt  }
0x42: {  	_ =	shalt  }
0x43: {  	_ =	shalt  }
0x44: {  	_ =	shalt  }
0x45: {  	_ =	shalt  }
0x46: {  	_ =	shalt  }
0x47: {  	_ =	shalt  }
0x48: {  	_ =	shalt  }
0x49: {  	_ =	shalt  }
0x4a: {  	_ =	shalt  }
0x4b: {  	_ =	shalt  }
0x4c: {  	_ =	shalt  }
0x4d: {  	_ =	shalt  }
0x4e: {  	_ =	shalt  }
0x4f: {  	_ =	shalt  }
0x50: {  	_ =	shalt  }
0x51: {  	_ =	shalt  }
0x52: {  	_ =	shalt  }
0x53: {  	_ =	shalt  }
0x54: {  	_ =	shalt  }
0x55: {  	_ =	shalt  }
0x56: {  	_ =	shalt  }
0x57: {  	_ =	shalt  }
0x58: {  	_ =	shalt  }
0x59: {  	_ =	shalt  }
0x5a: {  	_ =	shalt  }
0x5b: {  	_ =	shalt  }
0x5c: {  	_ =	shalt  }
0x5d: {  	_ =	shalt  }
0x5e: {  	_ =	shalt  }
0x5f: {  	_ =	shalt  }
0x60: {  	_ =	shalt  }
0x61: {  	_ =	shalt  }
0x62: {  	_ =	shalt  }
0x63: {  	_ =	shalt  }
0x64: {  	_ =	shalt  }
0x65: {  	_ =	shalt  }
0x66: {  	_ =	shalt  }
0x67: {  	_ =	shalt  }
0x68: {  	_ =	shalt  }
0x69: {  	_ =	shalt  }
0x6a: {  	_ =	shalt  }
0x6b: {  	_ =	shalt  }
0x6c: {  	_ =	shalt  }
0x6d: {  	_ =	shalt  }
0x6e: {  	_ =	shalt  }
0x6f: {  	_ =	shalt  }
0x70: {  	_ =	shalt  }
0x71: {  	_ =	shalt  }
0x72: {  	_ =	shalt  }
0x73: {  	_ =	shalt  }
0x74: {  	_ =	shalt  }
0x75: {  	_ =	shalt  }
0x76: {  	_ =	shalt  }
0x77: {  	_ =	shalt  }
0x78: {  	_ =	shalt  }
0x79: {  	_ =	shalt  }
0x7a: {  	_ =	shalt  }
0x7b: {  	_ =	shalt  }
0x7c: {  	_ =	shalt  }
0x7d: {  	_ =	shalt  }
0x7e: {  	_ =	shalt  }
0x7f: {  	_ =	shalt  }
0x80: {  	_ =	shalt  }
0x81: {  	_ =	shalt  }
0x82: {  	_ =	shalt  }
0x83: {  	_ =	shalt  }
0x84: {  	_ =	shalt  }
0x85: {  	_ =	shalt  }
0x86: {  	_ =	shalt  }
0x87: {  	_ =	shalt  }
.Lfunc_end0:
.L_simem_size_0:
called_computation_lowered:
.L_overlay_start_0:
0x88: {  	s2 =	sld [smem:$0x3FD9]  }
0x89: {  	s3 =	sld [smem:$0x3FFE];
	_ =	sdelay $0x1  }
0x8a: {  	s1 =	srdreg.scid  }
0x8b: {  	s0 =	sand.u32 $0x1, s1  }
0x8c: {  	s17 =	sshll.u32 s0, $0xA;
	s2 =	sadd.s32 s3, s2  }
0x8d: {  	s2 =	sadd.s32 s2, s17  }
0x8e: {  	[smem:$0x3FC1] =	sst s2  }
0x8f: {  	_ = 	snop  }
0x90: {  	s2 =	sld [smem:$0x3FC9];
	(tm) =	ssettm $0x1  }
0x91: {  	s18 =	sld [smem:$0x3FFB];
	_ =	sdelay $0x3  }
0x92: {  	_ =	strace s18  }
0x93: {  	s3 =	sld [smem:$0x3FFC];
	_ =	sdelay $0x3  }
0x94: {  	_ =	strace s3  }
0x95: {  	s3 =	sld [smem:$0x3FFD];
	_ =	sdelay $0x3  }
0x96: {  	_ =	strace s3  }
0x97: {  	_ =	strace $0x8FFFFFFF  }
0x98: {  	s19 =	sld [smem:$0x3FDB];
	_ =	sdelay $0x1  }
0x99: {  	s4 =	simm.s32 $_scs_section_size  }
0x9a: {  	s5 =	simm.s32 $_size__tile_overlayer_lowered;
	s6 =	simm.s32 $_tile_overlayer_lowered  }
0x9b: {  	s22 =	simm.s32 $0x1BFF;
	s21 =	sshll.u32 s6, $0x1;
	s3 =	sadd.s32 s4, s19  }
0x9c: {  	s7 =	simm.s32 $0x0;
	s20 =	sshll.u32 s5, $0x1;
	s5 =	sadd.s32 s21, s3  }
0x9d: {  	[timem:s7], [sflag:s22] =	dma.local [hbm:s5], s20  }
0x9e: {  	_ =	swait.ge [sflag:s22], s20  }
0x9f: {  	s4 =	ssub.s32 $0x0, s20;
	[sflag:s22] =	ssyncset.done $0x0  }
0xa0: {  	[sflag:s22] =	ssyncadd.s32 s4;
	_ =	sdelay $0x1  }
0xa1: {  	s23 =	simm.s32 $0x1B8B  }
0xa2: {  	_ =	swait.ge [sflag:s23], $0x1  }
0xa3: {  	[sflag:s23] =	ssyncset.done $0x0  }
0xa4: {  	s25 =	simm.s32 $0x1B8E;
	s24 =	sld [smem:$0x3FFE];
	[sflag:s23] =	ssyncadd.s32 $0xFFFFFFFF  }
0xa5: {  	s26 =	simm.s32 $execute0_lowered;
	[smem:$0x3FD2] =	sst s25  }
0xa6: {  	s5 =	sshll.u32 s26, $0x1;
	_ =	strace $0x80000046;
	[dreg:$0x1] =	wrdreg $0xFFFFFFFF  }
0xa7: {  	s28 =	simm.s32 $_size_execute0_lowered;
	s3 =	sadd.s32 s3, s5;
	[dreg:$0x0] =	wrdreg $0x0  }
0xa8: {  	s5 =	sshll.u32 s28, $0x1;
	[dreg:$0x2] =	wrdreg s3  }
0xa9: {  	[dreg:$0x3] =	wrdreg s5  }
0xaa: {  	[dreg:$0x4] =	wrdreg $0xC0  }
0xab: {  	_ =	task [dreg:s7], $0x5FFFF  }
0xac: {  	[dreg:$0x1] =	wrdreg $0xFFFFFFFF  }
0xad: {  	[dreg:$0x0] =	wrdreg $0x60  }
0xae: {  	[dreg:$0x2] =	wrdreg s2  }
0xaf: {  	[dreg:$0x3] =	wrdreg s24  }
0xb0: {  	[dreg:$0x4] =	wrdreg $0x9  }
0xb1: {  	_ =	task.clear_ibuf [dreg:s7], $0x5FFFF;
	_ =	strace $0x90000046  }
0xb2: {  	s29 =	simm.s32 $0x9;
	_ =	strace $0x80000048  }
0xb3: {  	_ =	swait.ge [sflag:s29], $0x1  }
0xb4: {  	[sflag:s29] =	ssyncadd.s32 $0xFFFFFFFF  }
0xb5: {  	_ =	strace $0x90000048  }
0xb6: {  	_ =	sfence  }
0xb7: {  	s30 =	sld [smem:$0x0];
	_ =	sdelay $0x2  }
0xb8: {  	s31 =	sshll.u32 s1, $0xD;
	s1 =	sshrl.u32 s1, $0x2  }
0xb9: {  	s3 =	sand.u32 $0x4000, s31;
	s1 =	sadd.s32 s1, s30  }
0xba: {  	s0 =	sor.u32 s3, s0;
	s1 =	sshll.u32 s1, $0x11  }
0xbb: {  	s0 =	sor.u32 s1, s0  }
0xbc: {  	s0 =	sadd.s32 $0x8F2B, s0  }
0xbd: {  	[sflag:s0] =	ssyncadd.remote.s32 $0x1  }
0xbe: {  	_ =	sfence.sel $0xFFFF  }
0xbf: {  	[dreg:$0x0] =	wrdreg $0xFFFFFFFF;
	(pc) =	sbr.abs _section_cstart, $3  }
0xc0: {  	[dreg:$0x1] =	wrdreg $0xFFFFFFFF  }
0xc1: {  	_ =	task.clear_ibuf [dreg:s7], $0x2FFFF;
	_ =	strace $0x9FFFFFFF  }
0xc2: {  	(tm) =	ssettm $0x7FFFFFFF  }
0xc3: {  	_ =	shalt  }
tec
execute0_lowered:
.L_overlay_start_1:
0x0: {  	(tag) =	ssettag $0x1  }
0x1: {  	s1 =	srdreg.scid  }
0x2: {  	s0 =	stileid.u32;
	s2 =	rddreg [dreg:$0x0]  }
0x3: {  	s5 =	rddreg [dreg:$0x1];
	s9 =	simm.s32 $0x2;
	s10 =	simm.s32 $0x80  }
0x4: {  	s11 =	simm.s32 $0x880;
	s12 =	simm.s32 $0x1080;
	s13 =	simm.s32 $0x1880  }
0x5: {  	s14 =	simm.s32 $0x2080;
	s15 =	simm.s32 $0x2880;
	s16 =	simm.s32 $0x3080  }
0x6: {  	s17 =	simm.s32 $0x3880;
	s4 =	sand.u32 $0x1, s1;
	s29 =	smul.u32 $0x280, s0  }
0x7: {  	s18 =	simm.s32 $0x4080;
	s19 =	simm.s32 $0x4880;
	s3 =	smul.u32 $0x140, s4  }
0x8: {  	s20 =	simm.s32 $0x5080;
	s21 =	simm.s32 $0x5880;
	s22 =	simm.s32 $0x1  }
0x9: {  	s23 =	simm.s32 $0x0;
	s1 =	rddreg [dreg:$0x2];
	s6 =	sadd.s32 s3, s29  }
0xa: {  	s4 =	ssub.s32 $0x2, s4;
	s3 =	simm.s32 $0x0;
	s6 =	sshrl.u32 s6, $0x3  }
0xb: {  	s30 =	sshrl.u32 s4, $0x1;
	[smem:$0x7FF] =	sst s3;
	s7 =	smul.u32 $0x300, s6  }
0xc: {  	v2 =	vlaneseq.u32;
	s31 =	ssub.s32 s4, s30;
	s4 =	sadd.s32 $0x100, s2;
	_ =	strace $0x80000047  }
0xd: {  	vm0 =	vmmov $0xffff;
	v1 =	vshrl.u32 v2, $0x3;
	s8 =	sadd.s32 s6, s5;
	s6 =	smax.u32 s31, $0x1;
	s7 =	sadd.s32 s7, s5  }
0xe: {  	v0 =	vand.u32 $0x7, v2;
	v2 =	vor.u32 $0x8, v2;
	v1 =	vmul.u32 $0x8, v1;
	s8 =	sadd.s32 $0x800, s8;
	s5 =	sadd.s32 $0x200, s2;
	s7 =	sadd.s32 $0xE00, s7  }
.LBB2_1:
0xf: {  	s24 =	simm.s32 $0x0;
	s25 =	smov.u32 s7  }
.LBB2_2:
0x10: {  	s26 =	sadd.s32 s24, s8  }
0x11: {  	[tilespmem:s3], [sflag:$0x2] =	stream.linear.gather [hbm4b:s26+s3], $0x20, $0x38;
	[tilespmem:$0x6080] =	vst v63  }
0x12: {  	_ =	swait.ge [sflag:s9], $0x20  }
0x13: {  	[sflag:s9] =	ssyncset.done $0x0  }
0x14: {  	[sflag:s9] =	ssyncadd.s32 $0xFFFFFFE0  }
0x15: {  	v3 =	vld [tilespmem:$0x0];
	_ =	sdelay $0x4  }
0x16: {  	v4 =	vshrl.u32 v3, $0x3  }
0x17: {  	v4 =	vmul.u32 $0x30, v4  }
0x18: {  	v3 =	vand.u32 $0x7, v3  }
0x19: {  	v3 =	vor.u32 v3, v4  }
0x1a: {  	v4 =	vperm.xlane v3, v0;
	_ =	sdelay $0x1  }
0x1b: {  	v4 =	vadd.s32 v1, v4;
	_ =	sdelay $0x3  }
0x1c: {  	v3 =	vperm.xlane v3, v2  }
0x1d: {  	[tilespmem:s10], [sflag:$0x1] =	stream.indirect_vreg.gather [hbm4b:s2+s3], $0x80, v4, vm0, $0xb8;
	[tilespmem:$0x6080] =	vst v63  }
0x1e: {  	v3 =	vadd.s32 v1, v3  }
0x1f: {  	[tilespmem:s11], [sflag:$0x1] =	stream.indirect_vreg.gather [hbm4b:s4+s3], $0x80, v4, vm0, $0xb8;
	[tilespmem:$0x6080] =	vst v63  }
0x20: {  	_ = 	snop  }
0x21: {  	[tilespmem:s12], [sflag:$0x1] =	stream.indirect_vreg.gather [hbm4b:s5+s3], $0x80, v4, vm0, $0xb8;
	[tilespmem:$0x6080] =	vst v63  }
0x22: {  	_ = 	snop  }
0x23: {  	[tilespmem:s13], [sflag:$0x1] =	stream.indirect_vreg.gather [hbm4b:s2+s3], $0x80, v3, vm0, $0xb8;
	[tilespmem:$0x6080] =	vst v63  }
0x24: {  	_ = 	snop  }
0x25: {  	[tilespmem:s14], [sflag:$0x1] =	stream.indirect_vreg.gather [hbm4b:s4+s3], $0x80, v3, vm0, $0xb8;
	[tilespmem:$0x6080] =	vst v63  }
0x26: {  	_ = 	snop  }
0x27: {  	[tilespmem:s15], [sflag:$0x1] =	stream.indirect_vreg.gather [hbm4b:s5+s3], $0x80, v3, vm0, $0xb8;
	[tilespmem:$0x6080] =	vst v63  }
0x28: {  	v3 =	vld [tilespmem:$0x10];
	_ =	sdelay $0x4  }
0x29: {  	v63 =	vshrl.u32 v3, $0x3  }
0x2a: {  	v4 =	vmul.u32 $0x30, v63  }
0x2b: {  	v3 =	vand.u32 $0x7, v3  }
0x2c: {  	v3 =	vor.u32 v3, v4  }
0x2d: {  	v4 =	vperm.xlane v3, v0;
	_ =	sdelay $0x1  }
0x2e: {  	v4 =	vadd.s32 v1, v4;
	_ =	sdelay $0x3  }
0x2f: {  	v3 =	vperm.xlane v3, v2  }
0x30: {  	[tilespmem:s16], [sflag:$0x1] =	stream.indirect_vreg.gather [hbm4b:s2+s3], $0x80, v4, vm0, $0xb8;
	[tilespmem:$0x6080] =	vst v63  }
0x31: {  	v3 =	vadd.s32 v1, v3  }
0x32: {  	[tilespmem:s17], [sflag:$0x1] =	stream.indirect_vreg.gather [hbm4b:s4+s3], $0x80, v4, vm0, $0xb8;
	[tilespmem:$0x6080] =	vst v63  }
0x33: {  	_ = 	snop  }
0x34: {  	[tilespmem:s18], [sflag:$0x1] =	stream.indirect_vreg.gather [hbm4b:s5+s3], $0x80, v4, vm0, $0xb8;
	[tilespmem:$0x6080] =	vst v63  }
0x35: {  	_ = 	snop  }
0x36: {  	[tilespmem:s19], [sflag:$0x1] =	stream.indirect_vreg.gather [hbm4b:s2+s3], $0x80, v3, vm0, $0xb8;
	[tilespmem:$0x6080] =	vst v63  }
0x37: {  	_ = 	snop  }
0x38: {  	[tilespmem:s20], [sflag:$0x1] =	stream.indirect_vreg.gather [hbm4b:s4+s3], $0x80, v3, vm0, $0xb8;
	[tilespmem:$0x6080] =	vst v63  }
0x39: {  	_ = 	snop  }
0x3a: {  	[tilespmem:s21], [sflag:$0x1] =	stream.indirect_vreg.gather [hbm4b:s5+s3], $0x80, v3, vm0, $0xb8;
	[tilespmem:$0x6080] =	vst v63  }
0x3b: {  	_ =	swait.ge [sflag:s22], $0x6000  }
0x3c: {  	p0 =	sne.s32 s24, $0x24;
	[sflag:s22] =	ssyncset.done $0x0  }
.Ltmp0:
0x3d: {  	[sflag:s22] =	ssyncadd.s32 $0xFFFFA000;
	(pc) =	sbr.rel @p0 .LBB2_2-.Ltmp0, $4  }
0x3e: {  	[hbm4b:s25+s3] =	stream.linear.scatter [tilespmem:s10], [sflag:$0x2], $0x6000, $0x38;
	[tilespmem:$0x6080] =	vst v63  }
0x3f: {  	_ =	swait.ge [sflag:s9], $0x6000  }
0x40: {  	[sflag:s9] =	ssyncset.done $0x0  }
0x41: {  	s24 =	sadd.s32 $0x4, s24;
	s25 =	sadd.s32 $0xC00, s25;
	[sflag:s9] =	ssyncadd.s32 $0xFFFFA000  }
0x42: {  	s23 =	sadd.s32 $0x1, s23  }
0x43: {  	p0 =	sne.s32 s23, s6  }
.Ltmp1:
0x44: {  	_ = 	snop;
	(pc) =	sbr.rel @p0 .LBB2_1-.Ltmp1, $1  }
0x45: {  	_ =	sdelay $0x3  }
0x46: {  	_ =	sfence.sel $0x180000  }
0x47: {  	[bflag:$0x0] =	sbarrier.arrive $0xFFFF  }
0x48: {  	p0 =	sne.s32 s0, $0x0;
	_ =	strace $0x90000047  }
0x49: {  	s0 =	sadd.s32 @!p0 $0x100000, s1;
	[bflag:$0x2] =	sbarrier.arrive $0xFFFF  }
0x4a: {  	[sflag:s0] =	ssyncadd.tile.s32 @!p0 $0x1;
	_ =	shalt  }
.Lfunc_end2:
_tile_overlayer_lowered:
.L_overlay_start_2:
0x4b: {  	(tag) =	ssettag $0x2  }
0x4c: {  	s0 =	rddreg [dreg:$0x0];
	s2 =	stileid.u32  }
0x4d: {  	s1 =	rddreg [dreg:$0x1];
	p0 =	sne.s32 s2, $0x0  }
0x4e: {  	s3 =	rddreg [dreg:$0x2];
	[bflag:$0x3] =	sbarrier.arrive $0xFFFF;
	s2 =	simm.s32 @!p0 $0x1C02  }
0x4f: {  	[timem:s3], [sflag:s2] =	dma.local @!p0 [hbm:s0], s1  }
0x50: {  	s0 =	simm.s32 @!p0 $0x2  }
0x51: {  	_ =	swait.ge @!p0 [sflag:s0], s1  }
0x52: {  	s1 =	ssub.s32 @!p0 $0x0, s1;
	[sflag:s0] =	ssyncset.done @!p0 $0x0  }
0x53: {  	[sflag:s0] =	ssyncadd.s32 @!p0 s1  }
0x54: {  	[bflag:$0x3] =	sbarrier.arrive $0xFFFF  }
0x55: {  	_ =	shalt  }

</sc_bundles>
